<compile_context>
chip_gen: v7x
topology: tpu7x:2x2x1
jax: 0.10.2.dev20260603
libtpu: 0.0.44.dev20260713+nightly
codegen_flags: <defaults>
</compile_context>

<pallas_src>
import functools

import jax
import jax.numpy as jnp
from jax import lax
from jax.experimental import pallas as pl
from jax.experimental.pallas import tpu as pltpu
from jax.experimental.pallas import tpu_sc as plsc

BLK = 128



def _router_body(cap, nexp, p_ref, gate_ref, gatem_ref, dsts_ref, dstg_ref,
                 cnt_ref):
    @pl.when(pl.program_id(0) == 0)
    def _init():
        cnt_ref[...] = jnp.zeros_like(cnt_ref)

    p = p_ref[...]
    gate = gate_ref[0]
    col = lax.broadcasted_iota(jnp.int32, p.shape, 1)
    idx = jnp.min(jnp.where(p == gate, col, nexp), axis=-1,
                  keepdims=True)
    me = (col == idx).astype(jnp.float32)
    blk = p.shape[0]
    r_i = lax.broadcasted_iota(jnp.int32, (blk, blk), 0)
    c_i = lax.broadcasted_iota(jnp.int32, (blk, blk), 1)
    tril = (c_i <= r_i).astype(jnp.float32)
    incl = jnp.dot(tril, me, preferred_element_type=jnp.float32)
    pos = (incl + cnt_ref[...]) * me
    cnt_ref[...] = cnt_ref[...] + jnp.sum(me, axis=0, keepdims=True)
    pos_t = jnp.sum(pos, axis=-1, keepdims=True)
    keep = pos_t <= cap
    slot = pos_t.astype(jnp.int32) - 1
    dst = idx * cap + slot
    gatem_ref[0] = jnp.where(keep, gate, 0.0)
    dsts_ref[0] = jnp.where(keep, dst, nexp * cap)
    dstg_ref[0] = jnp.where(keep, dst, idx * cap)


def _mm_body(x_ref, w_ref, b_ref, o_ref):
    o_ref[...] = (jnp.dot(x_ref[...], w_ref[0],
                          preferred_element_type=jnp.float32) + b_ref[0])


def _scale_body(g_ref, gate_ref, o_ref):
    gq = g_ref[...].astype(jnp.bfloat16).astype(jnp.float32)
    sq = gate_ref[0].astype(jnp.bfloat16).astype(jnp.float32)
    o_ref[...] = gq * sq


def _make_router(T, E, cap):
    nb = T // BLK
    return pl.pallas_call(
        functools.partial(_router_body, cap, E),
        grid=(nb,),
        in_specs=[pl.BlockSpec((BLK, E), lambda i: (i, 0)),
                  pl.BlockSpec((1, BLK, 1), lambda i: (i, 0, 0))],
        out_specs=[pl.BlockSpec((1, BLK, 1), lambda i: (i, 0, 0))] * 3,
        out_shape=[jax.ShapeDtypeStruct((nb, BLK, 1), jnp.float32),
                   jax.ShapeDtypeStruct((nb, BLK, 1), jnp.int32),
                   jax.ShapeDtypeStruct((nb, BLK, 1), jnp.int32)],
        scratch_shapes=[pltpu.VMEM((1, E), jnp.float32)],
    )


def _make_mm(E, cap, din, dout):
    return pl.pallas_call(
        _mm_body,
        grid=(E,),
        in_specs=[pl.BlockSpec((cap, din), lambda e: (e, 0)),
                  pl.BlockSpec((1, din, dout), lambda e: (e, 0, 0)),
                  pl.BlockSpec((1, 1, dout), lambda e: (e, 0, 0))],
        out_specs=pl.BlockSpec((cap, dout), lambda e: (e, 0)),
        out_shape=jax.ShapeDtypeStruct((E * cap, dout), jnp.float32),
        compiler_params=pltpu.CompilerParams(
            dimension_semantics=("arbitrary",)),
    )


def _make_scale(T, D):
    nb = T // BLK
    return pl.pallas_call(
        _scale_body,
        grid=(nb,),
        in_specs=[pl.BlockSpec((BLK, D), lambda i: (i, 0)),
                  pl.BlockSpec((1, BLK, 1), lambda i: (i, 0, 0))],
        out_specs=pl.BlockSpec((BLK, D), lambda i: (i, 0)),
        out_shape=jax.ShapeDtypeStruct((T, D), jnp.float32),
    )



def _make_sc_scatter(T, D, nrows, tpw):
    mesh = plsc.VectorSubcoreMesh(core_axis_name="c", subcore_axis_name="s")
    nc = mesh.num_cores

    @functools.partial(
        pl.kernel, mesh=mesh,
        out_type=jax.ShapeDtypeStruct((nrows, D), jnp.float32),
        scratch_types=[pltpu.VMEM((tpw,), jnp.int32),
                       pltpu.VMEM((tpw, D), jnp.float32),
                       pltpu.SemaphoreType.DMA],
    )
    def k(src_hbm, idx_hbm, out_hbm, idx_v, rows_v, sem):
        wid = lax.axis_index("s") * nc + lax.axis_index("c")
        base = wid * tpw
        pltpu.sync_copy(idx_hbm.at[pl.ds(base, tpw)], idx_v)
        pltpu.sync_copy(src_hbm.at[pl.ds(base, tpw)], rows_v)
        pltpu.async_copy(rows_v, out_hbm.at[idx_v], sem).wait()

    return k


def _make_sc_gather(T, D, tpw):
    mesh = plsc.VectorSubcoreMesh(core_axis_name="c", subcore_axis_name="s")
    nc = mesh.num_cores

    @functools.partial(
        pl.kernel, mesh=mesh,
        out_type=jax.ShapeDtypeStruct((T, D), jnp.float32),
        scratch_types=[pltpu.VMEM((tpw,), jnp.int32),
                       pltpu.VMEM((tpw, D), jnp.float32),
                       pltpu.SemaphoreType.DMA],
    )
    def k(table_hbm, idx_hbm, out_hbm, idx_v, rows_v, sem):
        wid = lax.axis_index("s") * nc + lax.axis_index("c")
        base = wid * tpw
        pltpu.sync_copy(idx_hbm.at[pl.ds(base, tpw)], idx_v)
        pltpu.async_copy(table_hbm.at[idx_v], rows_v, sem).wait()
        pltpu.sync_copy(rows_v, out_hbm.at[pl.ds(base, tpw)])

    return k



def _moe_layer(xt, router_x, Wg, W, b, cap, tpw):
    T, _ = xt.shape
    E, din, dout = W.shape
    nb = T // BLK
    nrows = (E + 1) * cap
    logits = jnp.dot(router_x, Wg, preferred_element_type=jnp.float32)
    probs = jax.nn.softmax(logits, axis=-1)
    gate = jnp.max(probs, axis=-1).reshape(nb, BLK, 1)
    gate_m, dsts, dstg = _make_router(T, E, cap)(probs, gate)
    xe = _make_sc_scatter(T, din, nrows, tpw)(xt, dsts.reshape(T))
    he = _make_mm(E, cap, din, dout)(xe, W, b.reshape(E, 1, dout))
    g = _make_sc_gather(T, dout, tpw)(he, dstg.reshape(T))
    return _make_scale(T, dout)(g, gate_m)


def kernel(x, Wg1, W1, b1, Wg2, W2, b2):
    B, S, D = x.shape
    E = W1.shape[0]
    T = B * S
    cap = 2 * T // E
    info = plsc.get_sparse_core_info()
    tpw = T // (info.num_cores * info.num_subcores)

    xt = x.reshape(T, D)
    y1 = _moe_layer(xt, xt, Wg1, W1, b1, cap, tpw)
    a = jax.nn.gelu(y1)
    y = _moe_layer(a, a.astype(jnp.bfloat16), Wg2, W2, b2, cap, tpw)
    return y.reshape(B, S, D)

# --- scband reference (transcript-rebuilt; emitter-appended) ---
"""Pipeline reference for scband-feed-forward-36816459661927 (READ-ONLY COPY).

The authoritative reference and input builder live on the scoring server;
editing this copy changes nothing except your own understanding.
"""

import jax, jax.numpy as jnp
import numpy as np

DIM = 768
HID = 1536
NUM_EXPERTS = 64


def setup_inputs(seed: int = 0) -> dict:
    key = jax.random.key(seed)
    ks = jax.random.split(key, 8)
    x = jax.random.normal(ks[0], (1, 2048, DIM), dtype=jnp.float32)
    Wg1 = jax.random.normal(ks[1], (DIM, NUM_EXPERTS), dtype=jnp.float32) * (DIM ** -0.5)
    W1 = jax.random.normal(ks[2], (NUM_EXPERTS, DIM, HID), dtype=jnp.float32) * (DIM ** -0.5)
    b1 = jnp.zeros((NUM_EXPERTS, HID), dtype=jnp.float32)
    Wg2 = jax.random.normal(ks[3], (HID, NUM_EXPERTS), dtype=jnp.float32) * (HID ** -0.5)
    W2 = jax.random.normal(ks[4], (NUM_EXPERTS, HID, DIM), dtype=jnp.float32) * (HID ** -0.5)
    b2 = jnp.zeros((NUM_EXPERTS, DIM), dtype=jnp.float32)
    return {"x": x, "Wg1": Wg1, "W1": W1, "b1": b1, "Wg2": Wg2, "W2": W2, "b2": b2}


def _moe_fc_tokens(x, Wg, W, b, capacity):
    # Top-1 token-routed MoE linear layer (MoeFcTokens with num_experts=64, top_k=1).
    E = W.shape[0]
    logits = x @ Wg                                   # [T, E] router
    probs = jax.nn.softmax(logits, axis=-1)
    gate = jnp.max(probs, axis=-1)                    # [T] top-1 gate value
    idx = jnp.argmax(probs, axis=-1)                  # [T] expert assignment
    me = jax.nn.one_hot(idx, E, dtype=x.dtype)        # [T, E]
    pos = jnp.cumsum(me, axis=0) * me                 # 1-based position within expert
    keep = ((pos > 0) & (pos <= capacity)).astype(x.dtype)
    slot = (pos - 1.0).astype(jnp.int32)              # -1 where not assigned -> one_hot zeros
    dispatch = jax.nn.one_hot(slot, capacity, dtype=x.dtype) * keep[..., None]  # [T, E, C]
    x_e = jnp.einsum('tec,td->ecd', dispatch, x)      # scatter tokens to expert buffers
    h = jnp.einsum('ecd,edh->ech', x_e, W) + b[:, None, :]  # per-expert matmul
    combine = dispatch * gate[:, None, None]
    y = jnp.einsum('tec,ech->th', combine, h)         # gather back, gate-weighted
    return y


def reference(x, Wg1, W1, b1, Wg2, W2, b2):
    B, S, D = x.shape
    xt = x.reshape(B * S, D)
    capacity = 2 * (B * S) // NUM_EXPERTS
    h = _moe_fc_tokens(xt, Wg1, W1, b1, capacity)
    a = jax.nn.gelu(h)
    # dropout p=0.0 -> identity (eval)
    y = _moe_fc_tokens(a, Wg2, W2, b2, capacity)
    return y.reshape(B, S, D)

if __name__ == "__main__":
    import jax
    _d = setup_inputs()
    print(jax.jit(kernel)(*tuple(_d.values())))

</pallas_src>

<mosaic_0001>
#map = affine_map<(d0, d1) -> (0, 0)>
#map1 = affine_map<(d0, d1) -> (0)>
module attributes {stable_mosaic.version = 14 : i64} {
  func.func @k(%arg0: i32, %arg1: i32, %arg2: memref<4096x1536xf32, #tpu.memory_space<hbm>>, %arg3: memref<2048xi32, #tpu.memory_space<hbm>>, %arg4: memref<2048x1536xf32, #tpu.memory_space<hbm>>, %arg5: memref<64xi32, #tpu.memory_space<vmem>>, %arg6: memref<64x1536xf32, #tpu.memory_space<vmem>>, %arg7: memref<!tpu.dma_semaphore, #tpu.memory_space<semaphore_mem>>) attributes {dimension_semantics = [#tpu.dimension_semantics<core_parallel>, #tpu.dimension_semantics<subcore_parallel>], iteration_bounds = array<i64: 2, 16>, scalar_prefetch = 0 : i64, scratch_operands = 3 : i64, tpu.core_type = #tpu.core_type<sc_vector_subcore>, window_params = [{transform_indices = #map}, {transform_indices = #map1}, {transform_indices = #map}]} {
    %mul3A = arith.constant 2 : i32
    %mul3A_0 = arith.muli %arg1, %mul3A : i32
    %add3A = arith.addi %mul3A_0, %arg0 : i32
    %mul3A_1 = arith.constant 64 : i32
    %mul3A_2 = arith.muli %add3A, %mul3A_1 : i32
    "tpu.region"() ({
      %run_scoped3A = tpu.sem_alloc : memref<!tpu.dma_semaphore, #tpu.memory_space<semaphore_mem>>
      %dma_start3A_7 = tpu.memref_slice %arg3[%mul3A_2] : memref<2048xi32, #tpu.memory_space<hbm>> -> memref<64xi32, #tpu.memory_space<hbm>>
      %dma_start3A_8 = tpu.memref_slice %arg3[%mul3A_2] : memref<2048xi32, #tpu.memory_space<hbm>> -> memref<64xi32, #tpu.memory_space<hbm>>
      tpu.enqueue_dma source(%dma_start3A_8 : memref<64xi32, #tpu.memory_space<hbm>>) target(%arg5 : memref<64xi32, #tpu.memory_space<vmem>>) target_semaphore(%run_scoped3A : memref<!tpu.dma_semaphore, #tpu.memory_space<semaphore_mem>>)
      %dma_wait3A_9 = tpu.memref_slice %arg3[%mul3A_2] : memref<2048xi32, #tpu.memory_space<hbm>> -> memref<64xi32, #tpu.memory_space<hbm>>
      %dma_wait3A_10 = tpu.memref_slice %arg3[%mul3A_2] : memref<2048xi32, #tpu.memory_space<hbm>> -> memref<64xi32, #tpu.memory_space<hbm>>
      tpu.wait_dma2 semaphore(%run_scoped3A : memref<!tpu.dma_semaphore, #tpu.memory_space<semaphore_mem>>) src(%dma_wait3A_10 : memref<64xi32, #tpu.memory_space<hbm>>) dst(%arg5 : memref<64xi32, #tpu.memory_space<vmem>>)
      tpu.yield
    }) : () -> ()
    %dma_start3A = arith.constant 0 : i32
    %dma_start3A_3 = arith.constant 0 : i32
    %dma_start3A_4 = tpu.memref_slice %arg2[%dma_start3A, %dma_start3A_3] : memref<4096x1536xf32, #tpu.memory_space<hbm>> -> memref<4096x1536xf32, #tpu.memory_space<hbm>>
    tpu.enqueue_indirect_dma source(%dma_start3A_4 : memref<4096x1536xf32, #tpu.memory_space<hbm>>) target(%arg6 : memref<64x1536xf32, #tpu.memory_space<vmem>>) offsets(%arg5 : memref<64xi32, #tpu.memory_space<vmem>>) semaphore(%arg7 : memref<!tpu.dma_semaphore, #tpu.memory_space<semaphore_mem>>)
    %dma_wait3A = arith.constant 0 : i32
    %dma_wait3A_5 = arith.constant 0 : i32
    %dma_wait3A_6 = tpu.memref_slice %arg2[%dma_wait3A, %dma_wait3A_5] : memref<4096x1536xf32, #tpu.memory_space<hbm>> -> memref<4096x1536xf32, #tpu.memory_space<hbm>>
    tpu.wait_indirect_dma semaphore(%arg7 : memref<!tpu.dma_semaphore, #tpu.memory_space<semaphore_mem>>) src(%dma_wait3A_6 : memref<4096x1536xf32, #tpu.memory_space<hbm>>) dst(%arg6 : memref<64x1536xf32, #tpu.memory_space<vmem>>)
    "tpu.region"() ({
      %run_scoped3A = tpu.sem_alloc : memref<!tpu.dma_semaphore, #tpu.memory_space<semaphore_mem>>
      %dma_start3A_7 = arith.constant 0 : i32
      %dma_start3A_8 = tpu.memref_slice %arg4[%mul3A_2, %dma_start3A_7] : memref<2048x1536xf32, #tpu.memory_space<hbm>> -> memref<64x1536xf32, #tpu.memory_space<hbm>>
      %dma_start3A_9 = arith.constant 0 : i32
      %dma_start3A_10 = tpu.memref_slice %arg4[%mul3A_2, %dma_start3A_9] : memref<2048x1536xf32, #tpu.memory_space<hbm>> -> memref<64x1536xf32, #tpu.memory_space<hbm>>
      tpu.enqueue_dma source(%arg6 : memref<64x1536xf32, #tpu.memory_space<vmem>>) target(%dma_start3A_10 : memref<64x1536xf32, #tpu.memory_space<hbm>>) target_semaphore(%run_scoped3A : memref<!tpu.dma_semaphore, #tpu.memory_space<semaphore_mem>>)
      %dma_wait3A_11 = arith.constant 0 : i32
      %dma_wait3A_12 = tpu.memref_slice %arg4[%mul3A_2, %dma_wait3A_11] : memref<2048x1536xf32, #tpu.memory_space<hbm>> -> memref<64x1536xf32, #tpu.memory_space<hbm>>
      %dma_wait3A_13 = arith.constant 0 : i32
      %dma_wait3A_14 = tpu.memref_slice %arg4[%mul3A_2, %dma_wait3A_13] : memref<2048x1536xf32, #tpu.memory_space<hbm>> -> memref<64x1536xf32, #tpu.memory_space<hbm>>
      tpu.wait_dma2 semaphore(%run_scoped3A : memref<!tpu.dma_semaphore, #tpu.memory_space<semaphore_mem>>) src(%arg6 : memref<64x1536xf32, #tpu.memory_space<vmem>>) dst(%dma_wait3A_14 : memref<64x1536xf32, #tpu.memory_space<hbm>>)
      tpu.yield
    }) : () -> ()
    return
  }
}

#map = affine_map<(d0, d1) -> (0, 0)>
#map1 = affine_map<(d0, d1) -> (0)>
module attributes {stable_mosaic.version = 14 : i64} {
  func.func @k(%arg0: i32, %arg1: i32, %arg2: memref<2048x768xf32, #tpu.memory_space<hbm>>, %arg3: memref<2048xi32, #tpu.memory_space<hbm>>, %arg4: memref<4160x768xf32, #tpu.memory_space<hbm>>, %arg5: memref<64xi32, #tpu.memory_space<vmem>>, %arg6: memref<64x768xf32, #tpu.memory_space<vmem>>, %arg7: memref<!tpu.dma_semaphore, #tpu.memory_space<semaphore_mem>>) attributes {dimension_semantics = [#tpu.dimension_semantics<core_parallel>, #tpu.dimension_semantics<subcore_parallel>], iteration_bounds = array<i64: 2, 16>, scalar_prefetch = 0 : i64, scratch_operands = 3 : i64, tpu.core_type = #tpu.core_type<sc_vector_subcore>, window_params = [{transform_indices = #map}, {transform_indices = #map1}, {transform_indices = #map}]} {
    %mul3A = arith.constant 2 : i32
    %mul3A_0 = arith.muli %arg1, %mul3A : i32
    %add3A = arith.addi %mul3A_0, %arg0 : i32
    %mul3A_1 = arith.constant 64 : i32
    %mul3A_2 = arith.muli %add3A, %mul3A_1 : i32
    "tpu.region"() ({
      %run_scoped3A = tpu.sem_alloc : memref<!tpu.dma_semaphore, #tpu.memory_space<semaphore_mem>>
      %dma_start3A_7 = tpu.memref_slice %arg3[%mul3A_2] : memref<2048xi32, #tpu.memory_space<hbm>> -> memref<64xi32, #tpu.memory_space<hbm>>
      %dma_start3A_8 = tpu.memref_slice %arg3[%mul3A_2] : memref<2048xi32, #tpu.memory_space<hbm>> -> memref<64xi32, #tpu.memory_space<hbm>>
      tpu.enqueue_dma source(%dma_start3A_8 : memref<64xi32, #tpu.memory_space<hbm>>) target(%arg5 : memref<64xi32, #tpu.memory_space<vmem>>) target_semaphore(%run_scoped3A : memref<!tpu.dma_semaphore, #tpu.memory_space<semaphore_mem>>)
      %dma_wait3A_9 = tpu.memref_slice %arg3[%mul3A_2] : memref<2048xi32, #tpu.memory_space<hbm>> -> memref<64xi32, #tpu.memory_space<hbm>>
      %dma_wait3A_10 = tpu.memref_slice %arg3[%mul3A_2] : memref<2048xi32, #tpu.memory_space<hbm>> -> memref<64xi32, #tpu.memory_space<hbm>>
      tpu.wait_dma2 semaphore(%run_scoped3A : memref<!tpu.dma_semaphore, #tpu.memory_space<semaphore_mem>>) src(%dma_wait3A_10 : memref<64xi32, #tpu.memory_space<hbm>>) dst(%arg5 : memref<64xi32, #tpu.memory_space<vmem>>)
      tpu.yield
    }) : () -> ()
    "tpu.region"() ({
      %run_scoped3A = tpu.sem_alloc : memref<!tpu.dma_semaphore, #tpu.memory_space<semaphore_mem>>
      %dma_start3A_7 = arith.constant 0 : i32
      %dma_start3A_8 = tpu.memref_slice %arg2[%mul3A_2, %dma_start3A_7] : memref<2048x768xf32, #tpu.memory_space<hbm>> -> memref<64x768xf32, #tpu.memory_space<hbm>>
      %dma_start3A_9 = arith.constant 0 : i32
      %dma_start3A_10 = tpu.memref_slice %arg2[%mul3A_2, %dma_start3A_9] : memref<2048x768xf32, #tpu.memory_space<hbm>> -> memref<64x768xf32, #tpu.memory_space<hbm>>
      tpu.enqueue_dma source(%dma_start3A_10 : memref<64x768xf32, #tpu.memory_space<hbm>>) target(%arg6 : memref<64x768xf32, #tpu.memory_space<vmem>>) target_semaphore(%run_scoped3A : memref<!tpu.dma_semaphore, #tpu.memory_space<semaphore_mem>>)
      %dma_wait3A_11 = arith.constant 0 : i32
      %dma_wait3A_12 = tpu.memref_slice %arg2[%mul3A_2, %dma_wait3A_11] : memref<2048x768xf32, #tpu.memory_space<hbm>> -> memref<64x768xf32, #tpu.memory_space<hbm>>
      %dma_wait3A_13 = arith.constant 0 : i32
      %dma_wait3A_14 = tpu.memref_slice %arg2[%mul3A_2, %dma_wait3A_13] : memref<2048x768xf32, #tpu.memory_space<hbm>> -> memref<64x768xf32, #tpu.memory_space<hbm>>
      tpu.wait_dma2 semaphore(%run_scoped3A : memref<!tpu.dma_semaphore, #tpu.memory_space<semaphore_mem>>) src(%dma_wait3A_14 : memref<64x768xf32, #tpu.memory_space<hbm>>) dst(%arg6 : memref<64x768xf32, #tpu.memory_space<vmem>>)
      tpu.yield
    }) : () -> ()
    %dma_start3A = arith.constant 0 : i32
    %dma_start3A_3 = arith.constant 0 : i32
    %dma_start3A_4 = tpu.memref_slice %arg4[%dma_start3A, %dma_start3A_3] : memref<4160x768xf32, #tpu.memory_space<hbm>> -> memref<4160x768xf32, #tpu.memory_space<hbm>>
    tpu.enqueue_indirect_dma source(%arg6 : memref<64x768xf32, #tpu.memory_space<vmem>>) target(%dma_start3A_4 : memref<4160x768xf32, #tpu.memory_space<hbm>>) offsets(%arg5 : memref<64xi32, #tpu.memory_space<vmem>>) semaphore(%arg7 : memref<!tpu.dma_semaphore, #tpu.memory_space<semaphore_mem>>)
    %dma_wait3A = arith.constant 0 : i32
    %dma_wait3A_5 = arith.constant 0 : i32
    %dma_wait3A_6 = tpu.memref_slice %arg4[%dma_wait3A, %dma_wait3A_5] : memref<4160x768xf32, #tpu.memory_space<hbm>> -> memref<4160x768xf32, #tpu.memory_space<hbm>>
    tpu.wait_indirect_dma semaphore(%arg7 : memref<!tpu.dma_semaphore, #tpu.memory_space<semaphore_mem>>) src(%arg6 : memref<64x768xf32, #tpu.memory_space<vmem>>) dst(%dma_wait3A_6 : memref<4160x768xf32, #tpu.memory_space<hbm>>)
    return
  }
}

#map = affine_map<(d0, d1) -> (0, 0)>
#map1 = affine_map<(d0, d1) -> (0)>
module attributes {stable_mosaic.version = 14 : i64} {
  func.func @k(%arg0: i32, %arg1: i32, %arg2: memref<2048x1536xf32, #tpu.memory_space<hbm>>, %arg3: memref<2048xi32, #tpu.memory_space<hbm>>, %arg4: memref<4160x1536xf32, #tpu.memory_space<hbm>>, %arg5: memref<64xi32, #tpu.memory_space<vmem>>, %arg6: memref<64x1536xf32, #tpu.memory_space<vmem>>, %arg7: memref<!tpu.dma_semaphore, #tpu.memory_space<semaphore_mem>>) attributes {dimension_semantics = [#tpu.dimension_semantics<core_parallel>, #tpu.dimension_semantics<subcore_parallel>], iteration_bounds = array<i64: 2, 16>, scalar_prefetch = 0 : i64, scratch_operands = 3 : i64, tpu.core_type = #tpu.core_type<sc_vector_subcore>, window_params = [{transform_indices = #map}, {transform_indices = #map1}, {transform_indices = #map}]} {
    %mul3A = arith.constant 2 : i32
    %mul3A_0 = arith.muli %arg1, %mul3A : i32
    %add3A = arith.addi %mul3A_0, %arg0 : i32
    %mul3A_1 = arith.constant 64 : i32
    %mul3A_2 = arith.muli %add3A, %mul3A_1 : i32
    "tpu.region"() ({
      %run_scoped3A = tpu.sem_alloc : memref<!tpu.dma_semaphore, #tpu.memory_space<semaphore_mem>>
      %dma_start3A_7 = tpu.memref_slice %arg3[%mul3A_2] : memref<2048xi32, #tpu.memory_space<hbm>> -> memref<64xi32, #tpu.memory_space<hbm>>
      %dma_start3A_8 = tpu.memref_slice %arg3[%mul3A_2] : memref<2048xi32, #tpu.memory_space<hbm>> -> memref<64xi32, #tpu.memory_space<hbm>>
      tpu.enqueue_dma source(%dma_start3A_8 : memref<64xi32, #tpu.memory_space<hbm>>) target(%arg5 : memref<64xi32, #tpu.memory_space<vmem>>) target_semaphore(%run_scoped3A : memref<!tpu.dma_semaphore, #tpu.memory_space<semaphore_mem>>)
      %dma_wait3A_9 = tpu.memref_slice %arg3[%mul3A_2] : memref<2048xi32, #tpu.memory_space<hbm>> -> memref<64xi32, #tpu.memory_space<hbm>>
      %dma_wait3A_10 = tpu.memref_slice %arg3[%mul3A_2] : memref<2048xi32, #tpu.memory_space<hbm>> -> memref<64xi32, #tpu.memory_space<hbm>>
      tpu.wait_dma2 semaphore(%run_scoped3A : memref<!tpu.dma_semaphore, #tpu.memory_space<semaphore_mem>>) src(%dma_wait3A_10 : memref<64xi32, #tpu.memory_space<hbm>>) dst(%arg5 : memref<64xi32, #tpu.memory_space<vmem>>)
      tpu.yield
    }) : () -> ()
    "tpu.region"() ({
      %run_scoped3A = tpu.sem_alloc : memref<!tpu.dma_semaphore, #tpu.memory_space<semaphore_mem>>
      %dma_start3A_7 = arith.constant 0 : i32
      %dma_start3A_8 = tpu.memref_slice %arg2[%mul3A_2, %dma_start3A_7] : memref<2048x1536xf32, #tpu.memory_space<hbm>> -> memref<64x1536xf32, #tpu.memory_space<hbm>>
      %dma_start3A_9 = arith.constant 0 : i32
      %dma_start3A_10 = tpu.memref_slice %arg2[%mul3A_2, %dma_start3A_9] : memref<2048x1536xf32, #tpu.memory_space<hbm>> -> memref<64x1536xf32, #tpu.memory_space<hbm>>
      tpu.enqueue_dma source(%dma_start3A_10 : memref<64x1536xf32, #tpu.memory_space<hbm>>) target(%arg6 : memref<64x1536xf32, #tpu.memory_space<vmem>>) target_semaphore(%run_scoped3A : memref<!tpu.dma_semaphore, #tpu.memory_space<semaphore_mem>>)
      %dma_wait3A_11 = arith.constant 0 : i32
      %dma_wait3A_12 = tpu.memref_slice %arg2[%mul3A_2, %dma_wait3A_11] : memref<2048x1536xf32, #tpu.memory_space<hbm>> -> memref<64x1536xf32, #tpu.memory_space<hbm>>
      %dma_wait3A_13 = arith.constant 0 : i32
      %dma_wait3A_14 = tpu.memref_slice %arg2[%mul3A_2, %dma_wait3A_13] : memref<2048x1536xf32, #tpu.memory_space<hbm>> -> memref<64x1536xf32, #tpu.memory_space<hbm>>
      tpu.wait_dma2 semaphore(%run_scoped3A : memref<!tpu.dma_semaphore, #tpu.memory_space<semaphore_mem>>) src(%dma_wait3A_14 : memref<64x1536xf32, #tpu.memory_space<hbm>>) dst(%arg6 : memref<64x1536xf32, #tpu.memory_space<vmem>>)
      tpu.yield
    }) : () -> ()
    %dma_start3A = arith.constant 0 : i32
    %dma_start3A_3 = arith.constant 0 : i32
    %dma_start3A_4 = tpu.memref_slice %arg4[%dma_start3A, %dma_start3A_3] : memref<4160x1536xf32, #tpu.memory_space<hbm>> -> memref<4160x1536xf32, #tpu.memory_space<hbm>>
    tpu.enqueue_indirect_dma source(%arg6 : memref<64x1536xf32, #tpu.memory_space<vmem>>) target(%dma_start3A_4 : memref<4160x1536xf32, #tpu.memory_space<hbm>>) offsets(%arg5 : memref<64xi32, #tpu.memory_space<vmem>>) semaphore(%arg7 : memref<!tpu.dma_semaphore, #tpu.memory_space<semaphore_mem>>)
    %dma_wait3A = arith.constant 0 : i32
    %dma_wait3A_5 = arith.constant 0 : i32
    %dma_wait3A_6 = tpu.memref_slice %arg4[%dma_wait3A, %dma_wait3A_5] : memref<4160x1536xf32, #tpu.memory_space<hbm>> -> memref<4160x1536xf32, #tpu.memory_space<hbm>>
    tpu.wait_indirect_dma semaphore(%arg7 : memref<!tpu.dma_semaphore, #tpu.memory_space<semaphore_mem>>) src(%arg6 : memref<64x1536xf32, #tpu.memory_space<vmem>>) dst(%dma_wait3A_6 : memref<4160x1536xf32, #tpu.memory_space<hbm>>)
    return
  }
}

#map = affine_map<(d0, d1) -> (0, 0)>
#map1 = affine_map<(d0, d1) -> (0)>
module attributes {stable_mosaic.version = 14 : i64} {
  func.func @k(%arg0: i32, %arg1: i32, %arg2: memref<4096x768xf32, #tpu.memory_space<hbm>>, %arg3: memref<2048xi32, #tpu.memory_space<hbm>>, %arg4: memref<2048x768xf32, #tpu.memory_space<hbm>>, %arg5: memref<64xi32, #tpu.memory_space<vmem>>, %arg6: memref<64x768xf32, #tpu.memory_space<vmem>>, %arg7: memref<!tpu.dma_semaphore, #tpu.memory_space<semaphore_mem>>) attributes {dimension_semantics = [#tpu.dimension_semantics<core_parallel>, #tpu.dimension_semantics<subcore_parallel>], iteration_bounds = array<i64: 2, 16>, scalar_prefetch = 0 : i64, scratch_operands = 3 : i64, tpu.core_type = #tpu.core_type<sc_vector_subcore>, window_params = [{transform_indices = #map}, {transform_indices = #map1}, {transform_indices = #map}]} {
    %mul3A = arith.constant 2 : i32
    %mul3A_0 = arith.muli %arg1, %mul3A : i32
    %add3A = arith.addi %mul3A_0, %arg0 : i32
    %mul3A_1 = arith.constant 64 : i32
    %mul3A_2 = arith.muli %add3A, %mul3A_1 : i32
    "tpu.region"() ({
      %run_scoped3A = tpu.sem_alloc : memref<!tpu.dma_semaphore, #tpu.memory_space<semaphore_mem>>
      %dma_start3A_7 = tpu.memref_slice %arg3[%mul3A_2] : memref<2048xi32, #tpu.memory_space<hbm>> -> memref<64xi32, #tpu.memory_space<hbm>>
      %dma_start3A_8 = tpu.memref_slice %arg3[%mul3A_2] : memref<2048xi32, #tpu.memory_space<hbm>> -> memref<64xi32, #tpu.memory_space<hbm>>
      tpu.enqueue_dma source(%dma_start3A_8 : memref<64xi32, #tpu.memory_space<hbm>>) target(%arg5 : memref<64xi32, #tpu.memory_space<vmem>>) target_semaphore(%run_scoped3A : memref<!tpu.dma_semaphore, #tpu.memory_space<semaphore_mem>>)
      %dma_wait3A_9 = tpu.memref_slice %arg3[%mul3A_2] : memref<2048xi32, #tpu.memory_space<hbm>> -> memref<64xi32, #tpu.memory_space<hbm>>
      %dma_wait3A_10 = tpu.memref_slice %arg3[%mul3A_2] : memref<2048xi32, #tpu.memory_space<hbm>> -> memref<64xi32, #tpu.memory_space<hbm>>
      tpu.wait_dma2 semaphore(%run_scoped3A : memref<!tpu.dma_semaphore, #tpu.memory_space<semaphore_mem>>) src(%dma_wait3A_10 : memref<64xi32, #tpu.memory_space<hbm>>) dst(%arg5 : memref<64xi32, #tpu.memory_space<vmem>>)
      tpu.yield
    }) : () -> ()
    %dma_start3A = arith.constant 0 : i32
    %dma_start3A_3 = arith.constant 0 : i32
    %dma_start3A_4 = tpu.memref_slice %arg2[%dma_start3A, %dma_start3A_3] : memref<4096x768xf32, #tpu.memory_space<hbm>> -> memref<4096x768xf32, #tpu.memory_space<hbm>>
    tpu.enqueue_indirect_dma source(%dma_start3A_4 : memref<4096x768xf32, #tpu.memory_space<hbm>>) target(%arg6 : memref<64x768xf32, #tpu.memory_space<vmem>>) offsets(%arg5 : memref<64xi32, #tpu.memory_space<vmem>>) semaphore(%arg7 : memref<!tpu.dma_semaphore, #tpu.memory_space<semaphore_mem>>)
    %dma_wait3A = arith.constant 0 : i32
    %dma_wait3A_5 = arith.constant 0 : i32
    %dma_wait3A_6 = tpu.memref_slice %arg2[%dma_wait3A, %dma_wait3A_5] : memref<4096x768xf32, #tpu.memory_space<hbm>> -> memref<4096x768xf32, #tpu.memory_space<hbm>>
    tpu.wait_indirect_dma semaphore(%arg7 : memref<!tpu.dma_semaphore, #tpu.memory_space<semaphore_mem>>) src(%dma_wait3A_6 : memref<4096x768xf32, #tpu.memory_space<hbm>>) dst(%arg6 : memref<64x768xf32, #tpu.memory_space<vmem>>)
    "tpu.region"() ({
      %run_scoped3A = tpu.sem_alloc : memref<!tpu.dma_semaphore, #tpu.memory_space<semaphore_mem>>
      %dma_start3A_7 = arith.constant 0 : i32
      %dma_start3A_8 = tpu.memref_slice %arg4[%mul3A_2, %dma_start3A_7] : memref<2048x768xf32, #tpu.memory_space<hbm>> -> memref<64x768xf32, #tpu.memory_space<hbm>>
      %dma_start3A_9 = arith.constant 0 : i32
      %dma_start3A_10 = tpu.memref_slice %arg4[%mul3A_2, %dma_start3A_9] : memref<2048x768xf32, #tpu.memory_space<hbm>> -> memref<64x768xf32, #tpu.memory_space<hbm>>
      tpu.enqueue_dma source(%arg6 : memref<64x768xf32, #tpu.memory_space<vmem>>) target(%dma_start3A_10 : memref<64x768xf32, #tpu.memory_space<hbm>>) target_semaphore(%run_scoped3A : memref<!tpu.dma_semaphore, #tpu.memory_space<semaphore_mem>>)
      %dma_wait3A_11 = arith.constant 0 : i32
      %dma_wait3A_12 = tpu.memref_slice %arg4[%mul3A_2, %dma_wait3A_11] : memref<2048x768xf32, #tpu.memory_space<hbm>> -> memref<64x768xf32, #tpu.memory_space<hbm>>
      %dma_wait3A_13 = arith.constant 0 : i32
      %dma_wait3A_14 = tpu.memref_slice %arg4[%mul3A_2, %dma_wait3A_13] : memref<2048x768xf32, #tpu.memory_space<hbm>> -> memref<64x768xf32, #tpu.memory_space<hbm>>
      tpu.wait_dma2 semaphore(%run_scoped3A : memref<!tpu.dma_semaphore, #tpu.memory_space<semaphore_mem>>) src(%arg6 : memref<64x768xf32, #tpu.memory_space<vmem>>) dst(%dma_wait3A_14 : memref<64x768xf32, #tpu.memory_space<hbm>>)
      tpu.yield
    }) : () -> ()
    return
  }
}

module attributes {stable_mosaic.version = 14 : i64} {
  func.func @_router_body(%arg0: i32, %arg1: memref<128x64xf32, #tpu.memory_space<vmem>>, %arg2: memref<1x128x1xf32, #tpu.memory_space<vmem>>, %arg3: memref<1x128x1xf32, #tpu.memory_space<vmem>>, %arg4: memref<1x128x1xi32, #tpu.memory_space<vmem>>, %arg5: memref<1x128x1xi32, #tpu.memory_space<vmem>>, %arg6: memref<1x64xf32, #tpu.memory_space<vmem>>) attributes {dimension_semantics = [#tpu.dimension_semantics<arbitrary>], iteration_bounds = array<i64: 16>, scalar_prefetch = 0 : i64, scratch_operands = 1 : i64, tpu.core_type = #tpu.core_type<tc>, window_params = [{transform_indices = @transform_0, window_bounds = array<i64: 128, 64>}, {transform_indices = @transform_1, window_bounds = array<i64: 1, 128, 1>}, {transform_indices = @transform_2, window_bounds = array<i64: 1, 128, 1>}, {transform_indices = @transform_3, window_bounds = array<i64: 1, 128, 1>}, {transform_indices = @transform_4, window_bounds = array<i64: 1, 128, 1>}]} {
    %eq3A = arith.constant 0 : i32
    %eq3A_0 = arith.cmpi eq, %arg0, %eq3A : i32
    %convert_element_type3A = arith.extui %eq3A_0 : i1 to i32
    %cond3A = arith.constant 0 : i32
    %cond3A_1 = arith.cmpi ne, %convert_element_type3A, %cond3A : i32
    scf.if %cond3A_1 {
      %broadcast_in_dim3A_75 = arith.constant 0.000000e+00 : f32
      %broadcast_in_dim3A_76 = vector.broadcast %broadcast_in_dim3A_75 : f32 to vector<1x64xf32>
      %swap3A_77 = arith.constant 0 : index
      %swap3A_78 = arith.constant 0 : index
      %swap3A_79 = vector.load %arg6[%swap3A_77, %swap3A_78] : memref<1x64xf32, #tpu.memory_space<vmem>>, vector<1x64xf32>
      tpu.vector_store %arg6[%swap3A_77, %swap3A_78], %broadcast_in_dim3A_76 {strides = array<i32>} : memref<1x64xf32, #tpu.memory_space<vmem>>, vector<1x64xf32>,
    } else {
    }
    %get3A = arith.constant 0 : index
    %get3A_2 = arith.constant 0 : index
    %get3A_3 = vector.load %arg1[%get3A, %get3A_2] : memref<128x64xf32, #tpu.memory_space<vmem>>, vector<128x64xf32>
    %get3A_4 = arith.constant 0 : index
    %get3A_5 = arith.constant 0 : index
    %get3A_6 = arith.constant 0 : index
    %get3A_7 = vector.load %arg2[%get3A_4, %get3A_5, %get3A_6] : memref<1x128x1xf32, #tpu.memory_space<vmem>>, vector<1x128x1xf32>
    %get3A_8 = vector.shape_cast %get3A_7 : vector<1x128x1xf32> to vector<128x1xf32>
    %iota3A = tpu.iota {dimensions = array<i32: 1>} : vector<128x64xi32>
    %eq3A_9 = vector.broadcast %get3A_8 : vector<128x1xf32> to vector<128x64xf32>
    %eq3A_10 = arith.cmpf oeq, %get3A_3, %eq3A_9 : vector<128x64xf32>
    %jit3A = arith.constant 64 : i32
    %broadcast_in_dim3A = vector.broadcast %jit3A : i32 to vector<128x64xi32>
    %select_n3A = arith.select %eq3A_10, %iota3A, %broadcast_in_dim3A : vector<128x64xi1>, vector<128x64xi32>
    %reduce_min3A = arith.constant dense<2147483647> : vector<128xi32>
    %reduce_min3A_11 = vector.multi_reduction <minsi>, %select_n3A, %reduce_min3A [1] : vector<128x64xi32> to vector<128xi32>
    %broadcast_in_dim3A_12 = vector.shape_cast %reduce_min3A_11 : vector<128xi32> to vector<128x1xi32>
    %eq3A_13 = vector.broadcast %broadcast_in_dim3A_12 : vector<128x1xi32> to vector<128x64xi32>
    %eq3A_14 = arith.cmpi eq, %iota3A, %eq3A_13 : vector<128x64xi32>
    %convert_element_type3A_15 = arith.extui %eq3A_14 : vector<128x64xi1> to vector<128x64xi32>
    %convert_element_type3A_16 = arith.sitofp %convert_element_type3A_15 : vector<128x64xi32> to vector<128x64xf32>
    %iota3A_17 = tpu.iota {dimensions = array<i32: 0>} : vector<128x128xi32>
    %iota3A_18 = tpu.iota {dimensions = array<i32: 1>} : vector<128x128xi32>
    %le3A = arith.cmpi sle, %iota3A_18, %iota3A_17 : vector<128x128xi32>
    %convert_element_type3A_19 = arith.extui %le3A : vector<128x128xi1> to vector<128x128xi32>
    %convert_element_type3A_20 = arith.sitofp %convert_element_type3A_19 : vector<128x128xi32> to vector<128x128xf32>
    %dot_general3A = arith.constant dense<0.000000e+00> : vector<128x64xf32>
    %dot_general3A_21 = tpu.matmul %convert_element_type3A_20, %convert_element_type3A_16, %dot_general3A {dimension_numbers = #tpu.dot_dimension_numbers<[1], [0], [0], [1], [0, 0, 1, 1], [], []>, transpose_lhs_hint = false} : vector<128x128xf32>, vector<128x64xf32>, vector<128x64xf32> -> vector<128x64xf32>
    %get3A_22 = arith.constant 0 : index
    %get3A_23 = arith.constant 0 : index
    %get3A_24 = vector.load %arg6[%get3A_22, %get3A_23] : memref<1x64xf32, #tpu.memory_space<vmem>>, vector<1x64xf32>
    %add3A = vector.broadcast %get3A_24 : vector<1x64xf32> to vector<128x64xf32>
    %add3A_25 = arith.addf %dot_general3A_21, %add3A : vector<128x64xf32>
    %mul3A = arith.mulf %add3A_25, %convert_element_type3A_16 : vector<128x64xf32>
    %get3A_26 = arith.constant 0 : index
    %get3A_27 = arith.constant 0 : index
    %get3A_28 = vector.load %arg6[%get3A_26, %get3A_27] : memref<1x64xf32, #tpu.memory_space<vmem>>, vector<1x64xf32>
    %reduce_sum3A = arith.constant dense<0.000000e+00> : vector<64xf32>
    %reduce_sum3A_29 = vector.multi_reduction <add>, %convert_element_type3A_16, %reduce_sum3A [0] : vector<128x64xf32> to vector<64xf32>
    %broadcast_in_dim3A_30 = vector.shape_cast %reduce_sum3A_29 : vector<64xf32> to vector<1x64xf32>
    %add3A_31 = arith.addf %get3A_28, %broadcast_in_dim3A_30 : vector<1x64xf32>
    %swap3A = arith.constant 0 : index
    %swap3A_32 = arith.constant 0 : index
    %swap3A_33 = vector.load %arg6[%swap3A, %swap3A_32] : memref<1x64xf32, #tpu.memory_space<vmem>>, vector<1x64xf32>
    tpu.vector_store %arg6[%swap3A, %swap3A_32], %add3A_31 {strides = array<i32>} : memref<1x64xf32, #tpu.memory_space<vmem>>, vector<1x64xf32>,
    %reduce_sum3A_34 = arith.constant dense<0.000000e+00> : vector<128xf32>
    %reduce_sum3A_35 = vector.multi_reduction <add>, %mul3A, %reduce_sum3A_34 [1] : vector<128x64xf32> to vector<128xf32>
    %broadcast_in_dim3A_36 = vector.shape_cast %reduce_sum3A_35 : vector<128xf32> to vector<128x1xf32>
    %le3A_37 = arith.constant 6.400000e+01 : f32
    %le3A_38 = vector.broadcast %le3A_37 : f32 to vector<128x1xf32>
    %le3A_39 = arith.cmpf ole, %broadcast_in_dim3A_36, %le3A_38 : vector<128x1xf32>
    %convert_element_type3A_40 = arith.fptosi %broadcast_in_dim3A_36 : vector<128x1xf32> to vector<128x1xi32>
    %sub3A = arith.constant 1 : i32
    %sub3A_41 = vector.broadcast %sub3A : i32 to vector<128x1xi32>
    %sub3A_42 = arith.subi %convert_element_type3A_40, %sub3A_41 : vector<128x1xi32>
    %mul3A_43 = arith.constant 64 : i32
    %mul3A_44 = vector.broadcast %mul3A_43 : i32 to vector<128x1xi32>
    %mul3A_45 = arith.muli %broadcast_in_dim3A_12, %mul3A_44 : vector<128x1xi32>
    %add3A_46 = arith.addi %mul3A_45, %sub3A_42 : vector<128x1xi32>
    %jit3A_47 = arith.constant 0.000000e+00 : f32
    %broadcast_in_dim3A_48 = vector.broadcast %jit3A_47 : f32 to vector<128x1xf32>
    %select_n3A_49 = arith.select %le3A_39, %get3A_8, %broadcast_in_dim3A_48 : vector<128x1xi1>, vector<128x1xf32>
    %swap3A_50 = arith.constant 0 : index
    %swap3A_51 = arith.constant 0 : index
    %swap3A_52 = arith.constant 0 : index
    %swap3A_53 = vector.load %arg3[%swap3A_50, %swap3A_51, %swap3A_52] : memref<1x128x1xf32, #tpu.memory_space<vmem>>, vector<1x128x1xf32>
    %swap3A_54 = vector.shape_cast %swap3A_53 : vector<1x128x1xf32> to vector<128x1xf32>
    %swap3A_55 = vector.shape_cast %select_n3A_49 : vector<128x1xf32> to vector<1x128x1xf32>
    tpu.vector_store %arg3[%swap3A_50, %swap3A_51, %swap3A_52], %swap3A_55 {strides = array<i32>} : memref<1x128x1xf32, #tpu.memory_space<vmem>>, vector<1x128x1xf32>,
    %jit3A_56 = arith.constant 4096 : i32
    %broadcast_in_dim3A_57 = vector.broadcast %jit3A_56 : i32 to vector<128x1xi32>
    %select_n3A_58 = arith.select %le3A_39, %add3A_46, %broadcast_in_dim3A_57 : vector<128x1xi1>, vector<128x1xi32>
    %swap3A_59 = arith.constant 0 : index
    %swap3A_60 = arith.constant 0 : index
    %swap3A_61 = arith.constant 0 : index
    %swap3A_62 = vector.load %arg4[%swap3A_59, %swap3A_60, %swap3A_61] : memref<1x128x1xi32, #tpu.memory_space<vmem>>, vector<1x128x1xi32>
    %swap3A_63 = vector.shape_cast %swap3A_62 : vector<1x128x1xi32> to vector<128x1xi32>
    %swap3A_64 = vector.shape_cast %select_n3A_58 : vector<128x1xi32> to vector<1x128x1xi32>
    tpu.vector_store %arg4[%swap3A_59, %swap3A_60, %swap3A_61], %swap3A_64 {strides = array<i32>} : memref<1x128x1xi32, #tpu.memory_space<vmem>>, vector<1x128x1xi32>,
    %mul3A_65 = arith.constant 64 : i32
    %mul3A_66 = vector.broadcast %mul3A_65 : i32 to vector<128x1xi32>
    %mul3A_67 = arith.muli %broadcast_in_dim3A_12, %mul3A_66 : vector<128x1xi32>
    %select_n3A_68 = arith.select %le3A_39, %add3A_46, %mul3A_67 : vector<128x1xi1>, vector<128x1xi32>
    %swap3A_69 = arith.constant 0 : index
    %swap3A_70 = arith.constant 0 : index
    %swap3A_71 = arith.constant 0 : index
    %swap3A_72 = vector.load %arg5[%swap3A_69, %swap3A_70, %swap3A_71] : memref<1x128x1xi32, #tpu.memory_space<vmem>>, vector<1x128x1xi32>
    %swap3A_73 = vector.shape_cast %swap3A_72 : vector<1x128x1xi32> to vector<128x1xi32>
    %swap3A_74 = vector.shape_cast %select_n3A_68 : vector<128x1xi32> to vector<1x128x1xi32>
    tpu.vector_store %arg5[%swap3A_69, %swap3A_70, %swap3A_71], %swap3A_74 {strides = array<i32>} : memref<1x128x1xi32, #tpu.memory_space<vmem>>, vector<1x128x1xi32>,
    return
  }
  func.func @transform_0(%arg0: i32) -> (i32, i32) {
    %c0_i32 = arith.constant 0 : i32
    %c0_i32_0 = arith.constant 0 : i32
    return %arg0, %c0_i32 : i32, i32
  }
  func.func @transform_1(%arg0: i32) -> (i32, i32, i32) {
    %c0_i32 = arith.constant 0 : i32
    %c0_i32_0 = arith.constant 0 : i32
    %c0_i32_1 = arith.constant 0 : i32
    return %arg0, %c0_i32, %c0_i32_0 : i32, i32, i32
  }
  func.func @transform_2(%arg0: i32) -> (i32, i32, i32) {
    %c0_i32 = arith.constant 0 : i32
    %c0_i32_0 = arith.constant 0 : i32
    %c0_i32_1 = arith.constant 0 : i32
    return %arg0, %c0_i32, %c0_i32_0 : i32, i32, i32
  }
  func.func @transform_3(%arg0: i32) -> (i32, i32, i32) {
    %c0_i32 = arith.constant 0 : i32
    %c0_i32_0 = arith.constant 0 : i32
    %c0_i32_1 = arith.constant 0 : i32
    return %arg0, %c0_i32, %c0_i32_0 : i32, i32, i32
  }
  func.func @transform_4(%arg0: i32) -> (i32, i32, i32) {
    %c0_i32 = arith.constant 0 : i32
    %c0_i32_0 = arith.constant 0 : i32
    %c0_i32_1 = arith.constant 0 : i32
    return %arg0, %c0_i32, %c0_i32_0 : i32, i32, i32
  }
}

module attributes {stable_mosaic.version = 14 : i64} {
  func.func @_mm_body(%arg0: i32, %arg1: memref<64x768xf32, #tpu.memory_space<vmem>>, %arg2: memref<1x768x1536xf32, #tpu.memory_space<vmem>>, %arg3: memref<1x1x1536xf32, #tpu.memory_space<vmem>>, %arg4: memref<64x1536xf32, #tpu.memory_space<vmem>>) attributes {dimension_semantics = [#tpu.dimension_semantics<arbitrary>], iteration_bounds = array<i64: 64>, scalar_prefetch = 0 : i64, scratch_operands = 0 : i64, tpu.core_type = #tpu.core_type<tc>, window_params = [{transform_indices = @transform_0, window_bounds = array<i64: 64, 768>}, {transform_indices = @transform_1, window_bounds = array<i64: 1, 768, 1536>}, {transform_indices = @transform_2, window_bounds = array<i64: 1, 1, 1536>}, {transform_indices = @transform_3, window_bounds = array<i64: 64, 1536>}]} {
    %get3A = arith.constant 0 : index
    %get3A_0 = arith.constant 0 : index
    %get3A_1 = vector.load %arg1[%get3A, %get3A_0] : memref<64x768xf32, #tpu.memory_space<vmem>>, vector<64x768xf32>
    %get3A_2 = arith.constant 0 : index
    %get3A_3 = arith.constant 0 : index
    %get3A_4 = arith.constant 0 : index
    %get3A_5 = vector.load %arg2[%get3A_2, %get3A_3, %get3A_4] : memref<1x768x1536xf32, #tpu.memory_space<vmem>>, vector<1x768x1536xf32>
    %get3A_6 = vector.shape_cast %get3A_5 : vector<1x768x1536xf32> to vector<768x1536xf32>
    %dot_general3A = arith.constant dense<0.000000e+00> : vector<64x1536xf32>
    %dot_general3A_7 = tpu.matmul %get3A_1, %get3A_6, %dot_general3A {dimension_numbers = #tpu.dot_dimension_numbers<[1], [0], [0], [1], [0, 0, 1, 1], [], []>, transpose_lhs_hint = false} : vector<64x768xf32>, vector<768x1536xf32>, vector<64x1536xf32> -> vector<64x1536xf32>
    %get3A_8 = arith.constant 0 : index
    %get3A_9 = arith.constant 0 : index
    %get3A_10 = arith.constant 0 : index
    %get3A_11 = vector.load %arg3[%get3A_8, %get3A_9, %get3A_10] : memref<1x1x1536xf32, #tpu.memory_space<vmem>>, vector<1x1x1536xf32>
    %get3A_12 = vector.shape_cast %get3A_11 : vector<1x1x1536xf32> to vector<1x1536xf32>
    %add3A = vector.broadcast %get3A_12 : vector<1x1536xf32> to vector<64x1536xf32>
    %add3A_13 = arith.addf %dot_general3A_7, %add3A : vector<64x1536xf32>
    %swap3A = arith.constant 0 : index
    %swap3A_14 = arith.constant 0 : index
    %swap3A_15 = vector.load %arg4[%swap3A, %swap3A_14] : memref<64x1536xf32, #tpu.memory_space<vmem>>, vector<64x1536xf32>
    tpu.vector_store %arg4[%swap3A, %swap3A_14], %add3A_13 {strides = array<i32>} : memref<64x1536xf32, #tpu.memory_space<vmem>>, vector<64x1536xf32>,
    return
  }
  func.func @transform_0(%arg0: i32) -> (i32, i32) {
    %c0_i32 = arith.constant 0 : i32
    %c0_i32_0 = arith.constant 0 : i32
    return %arg0, %c0_i32 : i32, i32
  }
  func.func @transform_1(%arg0: i32) -> (i32, i32, i32) {
    %c0_i32 = arith.constant 0 : i32
    %c0_i32_0 = arith.constant 0 : i32
    %c0_i32_1 = arith.constant 0 : i32
    return %arg0, %c0_i32, %c0_i32_0 : i32, i32, i32
  }
  func.func @transform_2(%arg0: i32) -> (i32, i32, i32) {
    %c0_i32 = arith.constant 0 : i32
    %c0_i32_0 = arith.constant 0 : i32
    %c0_i32_1 = arith.constant 0 : i32
    return %arg0, %c0_i32, %c0_i32_0 : i32, i32, i32
  }
  func.func @transform_3(%arg0: i32) -> (i32, i32) {
    %c0_i32 = arith.constant 0 : i32
    %c0_i32_0 = arith.constant 0 : i32
    return %arg0, %c0_i32 : i32, i32
  }
}

module attributes {stable_mosaic.version = 14 : i64} {
  func.func @_scale_body(%arg0: i32, %arg1: memref<128x1536xf32, #tpu.memory_space<vmem>>, %arg2: memref<1x128x1xf32, #tpu.memory_space<vmem>>, %arg3: memref<128x1536xf32, #tpu.memory_space<vmem>>) attributes {dimension_semantics = [#tpu.dimension_semantics<arbitrary>], iteration_bounds = array<i64: 16>, scalar_prefetch = 0 : i64, scratch_operands = 0 : i64, tpu.core_type = #tpu.core_type<tc>, window_params = [{transform_indices = @transform_0, window_bounds = array<i64: 128, 1536>}, {transform_indices = @transform_1, window_bounds = array<i64: 1, 128, 1>}, {transform_indices = @transform_2, window_bounds = array<i64: 128, 1536>}]} {
    %get3A = arith.constant 0 : index
    %get3A_0 = arith.constant 0 : index
    %get3A_1 = vector.load %arg1[%get3A, %get3A_0] : memref<128x1536xf32, #tpu.memory_space<vmem>>, vector<128x1536xf32>
    %convert_element_type3A = arith.truncf %get3A_1 : vector<128x1536xf32> to vector<128x1536xbf16>
    %convert_element_type3A_2 = arith.extf %convert_element_type3A : vector<128x1536xbf16> to vector<128x1536xf32>
    %get3A_3 = arith.constant 0 : index
    %get3A_4 = arith.constant 0 : index
    %get3A_5 = arith.constant 0 : index
    %get3A_6 = vector.load %arg2[%get3A_3, %get3A_4, %get3A_5] : memref<1x128x1xf32, #tpu.memory_space<vmem>>, vector<1x128x1xf32>
    %get3A_7 = vector.shape_cast %get3A_6 : vector<1x128x1xf32> to vector<128x1xf32>
    %convert_element_type3A_8 = arith.truncf %get3A_7 : vector<128x1xf32> to vector<128x1xbf16>
    %convert_element_type3A_9 = arith.extf %convert_element_type3A_8 : vector<128x1xbf16> to vector<128x1xf32>
    %mul3A = vector.broadcast %convert_element_type3A_9 : vector<128x1xf32> to vector<128x1536xf32>
    %mul3A_10 = arith.mulf %convert_element_type3A_2, %mul3A : vector<128x1536xf32>
    %swap3A = arith.constant 0 : index
    %swap3A_11 = arith.constant 0 : index
    %swap3A_12 = vector.load %arg3[%swap3A, %swap3A_11] : memref<128x1536xf32, #tpu.memory_space<vmem>>, vector<128x1536xf32>
    tpu.vector_store %arg3[%swap3A, %swap3A_11], %mul3A_10 {strides = array<i32>} : memref<128x1536xf32, #tpu.memory_space<vmem>>, vector<128x1536xf32>,
    return
  }
  func.func @transform_0(%arg0: i32) -> (i32, i32) {
    %c0_i32 = arith.constant 0 : i32
    %c0_i32_0 = arith.constant 0 : i32
    return %arg0, %c0_i32 : i32, i32
  }
  func.func @transform_1(%arg0: i32) -> (i32, i32, i32) {
    %c0_i32 = arith.constant 0 : i32
    %c0_i32_0 = arith.constant 0 : i32
    %c0_i32_1 = arith.constant 0 : i32
    return %arg0, %c0_i32, %c0_i32_0 : i32, i32, i32
  }
  func.func @transform_2(%arg0: i32) -> (i32, i32) {
    %c0_i32 = arith.constant 0 : i32
    %c0_i32_0 = arith.constant 0 : i32
    return %arg0, %c0_i32 : i32, i32
  }
}

module attributes {stable_mosaic.version = 14 : i64} {
  func.func @_mm_body(%arg0: i32, %arg1: memref<64x1536xf32, #tpu.memory_space<vmem>>, %arg2: memref<1x1536x768xf32, #tpu.memory_space<vmem>>, %arg3: memref<1x1x768xf32, #tpu.memory_space<vmem>>, %arg4: memref<64x768xf32, #tpu.memory_space<vmem>>) attributes {dimension_semantics = [#tpu.dimension_semantics<arbitrary>], iteration_bounds = array<i64: 64>, scalar_prefetch = 0 : i64, scratch_operands = 0 : i64, tpu.core_type = #tpu.core_type<tc>, window_params = [{transform_indices = @transform_0, window_bounds = array<i64: 64, 1536>}, {transform_indices = @transform_1, window_bounds = array<i64: 1, 1536, 768>}, {transform_indices = @transform_2, window_bounds = array<i64: 1, 1, 768>}, {transform_indices = @transform_3, window_bounds = array<i64: 64, 768>}]} {
    %get3A = arith.constant 0 : index
    %get3A_0 = arith.constant 0 : index
    %get3A_1 = vector.load %arg1[%get3A, %get3A_0] : memref<64x1536xf32, #tpu.memory_space<vmem>>, vector<64x1536xf32>
    %get3A_2 = arith.constant 0 : index
    %get3A_3 = arith.constant 0 : index
    %get3A_4 = arith.constant 0 : index
    %get3A_5 = vector.load %arg2[%get3A_2, %get3A_3, %get3A_4] : memref<1x1536x768xf32, #tpu.memory_space<vmem>>, vector<1x1536x768xf32>
    %get3A_6 = vector.shape_cast %get3A_5 : vector<1x1536x768xf32> to vector<1536x768xf32>
    %dot_general3A = arith.constant dense<0.000000e+00> : vector<64x768xf32>
    %dot_general3A_7 = tpu.matmul %get3A_1, %get3A_6, %dot_general3A {dimension_numbers = #tpu.dot_dimension_numbers<[1], [0], [0], [1], [0, 0, 1, 1], [], []>, transpose_lhs_hint = false} : vector<64x1536xf32>, vector<1536x768xf32>, vector<64x768xf32> -> vector<64x768xf32>
    %get3A_8 = arith.constant 0 : index
    %get3A_9 = arith.constant 0 : index
    %get3A_10 = arith.constant 0 : index
    %get3A_11 = vector.load %arg3[%get3A_8, %get3A_9, %get3A_10] : memref<1x1x768xf32, #tpu.memory_space<vmem>>, vector<1x1x768xf32>
    %get3A_12 = vector.shape_cast %get3A_11 : vector<1x1x768xf32> to vector<1x768xf32>
    %add3A = vector.broadcast %get3A_12 : vector<1x768xf32> to vector<64x768xf32>
    %add3A_13 = arith.addf %dot_general3A_7, %add3A : vector<64x768xf32>
    %swap3A = arith.constant 0 : index
    %swap3A_14 = arith.constant 0 : index
    %swap3A_15 = vector.load %arg4[%swap3A, %swap3A_14] : memref<64x768xf32, #tpu.memory_space<vmem>>, vector<64x768xf32>
    tpu.vector_store %arg4[%swap3A, %swap3A_14], %add3A_13 {strides = array<i32>} : memref<64x768xf32, #tpu.memory_space<vmem>>, vector<64x768xf32>,
    return
  }
  func.func @transform_0(%arg0: i32) -> (i32, i32) {
    %c0_i32 = arith.constant 0 : i32
    %c0_i32_0 = arith.constant 0 : i32
    return %arg0, %c0_i32 : i32, i32
  }
  func.func @transform_1(%arg0: i32) -> (i32, i32, i32) {
    %c0_i32 = arith.constant 0 : i32
    %c0_i32_0 = arith.constant 0 : i32
    %c0_i32_1 = arith.constant 0 : i32
    return %arg0, %c0_i32, %c0_i32_0 : i32, i32, i32
  }
  func.func @transform_2(%arg0: i32) -> (i32, i32, i32) {
    %c0_i32 = arith.constant 0 : i32
    %c0_i32_0 = arith.constant 0 : i32
    %c0_i32_1 = arith.constant 0 : i32
    return %arg0, %c0_i32, %c0_i32_0 : i32, i32, i32
  }
  func.func @transform_3(%arg0: i32) -> (i32, i32) {
    %c0_i32 = arith.constant 0 : i32
    %c0_i32_0 = arith.constant 0 : i32
    return %arg0, %c0_i32 : i32, i32
  }
}

module attributes {stable_mosaic.version = 14 : i64} {
  func.func @_scale_body(%arg0: i32, %arg1: memref<128x768xf32, #tpu.memory_space<vmem>>, %arg2: memref<1x128x1xf32, #tpu.memory_space<vmem>>, %arg3: memref<128x768xf32, #tpu.memory_space<vmem>>) attributes {dimension_semantics = [#tpu.dimension_semantics<arbitrary>], iteration_bounds = array<i64: 16>, scalar_prefetch = 0 : i64, scratch_operands = 0 : i64, tpu.core_type = #tpu.core_type<tc>, window_params = [{transform_indices = @transform_0, window_bounds = array<i64: 128, 768>}, {transform_indices = @transform_1, window_bounds = array<i64: 1, 128, 1>}, {transform_indices = @transform_2, window_bounds = array<i64: 128, 768>}]} {
    %get3A = arith.constant 0 : index
    %get3A_0 = arith.constant 0 : index
    %get3A_1 = vector.load %arg1[%get3A, %get3A_0] : memref<128x768xf32, #tpu.memory_space<vmem>>, vector<128x768xf32>
    %convert_element_type3A = arith.truncf %get3A_1 : vector<128x768xf32> to vector<128x768xbf16>
    %convert_element_type3A_2 = arith.extf %convert_element_type3A : vector<128x768xbf16> to vector<128x768xf32>
    %get3A_3 = arith.constant 0 : index
    %get3A_4 = arith.constant 0 : index
    %get3A_5 = arith.constant 0 : index
    %get3A_6 = vector.load %arg2[%get3A_3, %get3A_4, %get3A_5] : memref<1x128x1xf32, #tpu.memory_space<vmem>>, vector<1x128x1xf32>
    %get3A_7 = vector.shape_cast %get3A_6 : vector<1x128x1xf32> to vector<128x1xf32>
    %convert_element_type3A_8 = arith.truncf %get3A_7 : vector<128x1xf32> to vector<128x1xbf16>
    %convert_element_type3A_9 = arith.extf %convert_element_type3A_8 : vector<128x1xbf16> to vector<128x1xf32>
    %mul3A = vector.broadcast %convert_element_type3A_9 : vector<128x1xf32> to vector<128x768xf32>
    %mul3A_10 = arith.mulf %convert_element_type3A_2, %mul3A : vector<128x768xf32>
    %swap3A = arith.constant 0 : index
    %swap3A_11 = arith.constant 0 : index
    %swap3A_12 = vector.load %arg3[%swap3A, %swap3A_11] : memref<128x768xf32, #tpu.memory_space<vmem>>, vector<128x768xf32>
    tpu.vector_store %arg3[%swap3A, %swap3A_11], %mul3A_10 {strides = array<i32>} : memref<128x768xf32, #tpu.memory_space<vmem>>, vector<128x768xf32>,
    return
  }
  func.func @transform_0(%arg0: i32) -> (i32, i32) {
    %c0_i32 = arith.constant 0 : i32
    %c0_i32_0 = arith.constant 0 : i32
    return %arg0, %c0_i32 : i32, i32
  }
  func.func @transform_1(%arg0: i32) -> (i32, i32, i32) {
    %c0_i32 = arith.constant 0 : i32
    %c0_i32_0 = arith.constant 0 : i32
    %c0_i32_1 = arith.constant 0 : i32
    return %arg0, %c0_i32, %c0_i32_0 : i32, i32, i32
  }
  func.func @transform_2(%arg0: i32) -> (i32, i32) {
    %c0_i32 = arith.constant 0 : i32
    %c0_i32_0 = arith.constant 0 : i32
    return %arg0, %c0_i32 : i32, i32
  }
}

</mosaic_0001>

<sc_bundles>
// kernel: kernel.12.cloned.1.call-start
scs
__scs_entry_jumppad:
0x0: {  	(pc) =	sbr.rel $0x88, $3  }
0x1: {  	(tag) =	ssettag $0x0;
	lr =	simm.s32 $0x1  }
0x2: {  	[smem:$0x3F9A] =	sst lr;
	_ =	strace $0xD0000000  }
0x3: {  	_ = 	snop  }
0x4: {  	_ = 	snop  }
0x5: {  	_ = 	snop  }
0x6: {  	_ = 	snop  }
0x7: {  	_ = 	snop  }
__scs_overlays_trampoline_lowered:
0x8: {  	[smem:$0x3FA9] =	sst s0  }
0x9: {  	[smem:$0x3FAA] =	sst s1  }
0xa: {  	[smem:$0x3FAB] =	sst s2  }
0xb: {  	[smem:$0x3FAC] =	sst s3  }
0xc: {  	[smem:$0x3FAD] =	sst s4  }
0xd: {  	[smem:$0x3FAE] =	sst s5  }
0xe: {  	[smem:$0x3FAF] =	sst s6  }
0xf: {  	[smem:$0x3FB0] =	sst s7  }
0x10: {  	[smem:$0x3FB1] =	sst s8  }
0x11: {  	[smem:$0x3FB2] =	sst s9;
	s0 =	simm.s32 @!p0 $0x0  }
0x12: {  	s1 =	sld [smem:$0x3F98];
	s0 =	simm.s32 @p0 $0x1  }
0x13: {  	[smem:$0x3FB3] =	sst s0;
	s0 =	simm.s32 @!p1 $0x0  }
0x14: {  	s2 =	sld [smem:$0x3F97];
	s0 =	simm.s32 @p1 $0x1  }
0x15: {  	[smem:$0x3FB4] =	sst s0;
	s0 =	simm.s32 @!p2 $0x0  }
0x16: {  	s3 =	sld [smem:$0x3FDB];
	s0 =	simm.s32 @p2 $0x1  }
0x17: {  	s4 =	simm.s32 $0x1BF5;
	[smem:$0x3FB6] =	sst s0  }
0x18: {  	s0 =	sld [smem:$0x3F99];
	_ =	swait.ge [sflag:s4], $0x0  }
0x19: {  	s7 =	sld [smem:$0x3F9A]  }
0x1a: {  	s8 =	sadd.s32 $0xFFFFE003, lr  }
0x1b: {  	s9 =	sadd.s32 $0xFFFFFEF7, lr;
	s5 =	simm.s32 $0xFFFFFFFF;
	p2 =	slt.u32 s8, $0xFFFFF086  }
0x1c: {  	p1 =	slt.u32 s9, $0xF7A;
	s5 =	simm.s32 @!p2 $0x0  }
0x1d: {  	s5 =	simm.s32 @p1 $0x1;
	p0 =	seq.s32 s7, s2  }
0x1e: {  	s7 =	smul.u32 @!p0 $0xF7A, s2;
	p2 =	seq.s32 @!p0 s5, $0x0  }
0x1f: {  	s9 =	smul.u32 $0xF7A, s1;
	s8 =	simm.s32 @!p0 $0x1BF5;
	p2 =	por !p2, p0  }
0x20: {  	[sflag:s8] =	ssyncset.s32 @!p0 $0xFFFFF086;
	s6 =	sadd.s32 @!p0 s3, s7;
	s7 =	simm.s32 @!p0 $0x108  }
0x21: {  	s3 =	sadd.s32 s3, s9;
	s6 =	sadd.s32 @!p0 $0x88, s6;
	s7 =	simm.s32 @p2 $0x1082  }
0x22: {  	[simem:s7], [sflag:s8] =	dma.local @!p0 [hbm:s6], $0xF7A  }
0x23: {  	s9 =	sor.u32 $0xD0000000, s2;
	s6 =	simm.s32 $0x108;
	_ =	swait.ge @!p0 [sflag:s8], $0x0  }
0x24: {  	s3 =	sadd.s32 $0x88, s3;
	s6 =	simm.s32 @!p1 $0x1082;
	[sflag:s4] =	ssyncset.s32 $0xFFFFF086  }
0x25: {  	[simem:s6], [sflag:s4] =	dma.local [hbm:s3], $0xF7A  }
0x26: {  	[smem:$0x3F9A] =	sst s1;
	(tag) =	ssettag s2;
	_ =	strace s9  }
0x27: {  	s1 =	sld [smem:$0x3FAA]  }
0x28: {  	s2 =	sld [smem:$0x3FAB]  }
0x29: {  	s4 =	sld [smem:$0x3FAD]  }
0x2a: {  	p0 =	seq.s32 s5, $0x0;
	s5 =	sld [smem:$0x3FAE]  }
0x2b: {  	s6 =	sld [smem:$0x3FAF]  }
0x2c: {  	s7 =	sld [smem:$0x3FB0]  }
0x2d: {  	s3 =	simm.s32 $0x108;
	s8 =	sld [smem:$0x3FB1]  }
0x2e: {  	s3 =	simm.s32 @!p0 $0x1082;
	s9 =	sld [smem:$0x3FB2]  }
0x2f: {  	lr =	sadd.s32 s0, s3;
	s0 =	sld [smem:$0x3FA9]  }
0x30: {  	s3 =	sld [smem:$0x3FAC]  }
0x31: {  	[smem:$0x3FB5] =	sst s10  }
0x32: {  	s10 =	sld [smem:$0x3FB3];
	_ =	sdelay $0x3  }
0x33: {  	p0 =	seq.s32 s10, $0x1;
	s10 =	sld [smem:$0x3FB5];
	_ =	sdelay $0x3  }
0x34: {  	[smem:$0x3FB5] =	sst s10  }
0x35: {  	s10 =	sld [smem:$0x3FB4];
	_ =	sdelay $0x3  }
0x36: {  	p1 =	seq.s32 s10, $0x1;
	s10 =	sld [smem:$0x3FB5];
	_ =	sdelay $0x3  }
0x37: {  	[smem:$0x3FB5] =	sst s10  }
0x38: {  	s10 =	sld [smem:$0x3FB6]  }
0x39: {  	_ = 	snop;
	(pc) =	sbr.ind lr, $3  }
0x3a: {  	_ = 	snop  }
0x3b: {  	_ = 	snop  }
0x3c: {  	p2 =	seq.s32 s10, $0x1;
	s10 =	sld [smem:$0x3FB5]  }
0x3d: {  	_ =	shalt  }
0x3e: {  	_ =	shalt  }
0x3f: {  	_ =	shalt  }
0x40: {  	_ =	shalt  }
0x41: {  	_ =	shalt  }
0x42: {  	_ =	shalt  }
0x43: {  	_ =	shalt  }
0x44: {  	_ =	shalt  }
0x45: {  	_ =	shalt  }
0x46: {  	_ =	shalt  }
0x47: {  	_ =	shalt  }
0x48: {  	_ =	shalt  }
0x49: {  	_ =	shalt  }
0x4a: {  	_ =	shalt  }
0x4b: {  	_ =	shalt  }
0x4c: {  	_ =	shalt  }
0x4d: {  	_ =	shalt  }
0x4e: {  	_ =	shalt  }
0x4f: {  	_ =	shalt  }
0x50: {  	_ =	shalt  }
0x51: {  	_ =	shalt  }
0x52: {  	_ =	shalt  }
0x53: {  	_ =	shalt  }
0x54: {  	_ =	shalt  }
0x55: {  	_ =	shalt  }
0x56: {  	_ =	shalt  }
0x57: {  	_ =	shalt  }
0x58: {  	_ =	shalt  }
0x59: {  	_ =	shalt  }
0x5a: {  	_ =	shalt  }
0x5b: {  	_ =	shalt  }
0x5c: {  	_ =	shalt  }
0x5d: {  	_ =	shalt  }
0x5e: {  	_ =	shalt  }
0x5f: {  	_ =	shalt  }
0x60: {  	_ =	shalt  }
0x61: {  	_ =	shalt  }
0x62: {  	_ =	shalt  }
0x63: {  	_ =	shalt  }
0x64: {  	_ =	shalt  }
0x65: {  	_ =	shalt  }
0x66: {  	_ =	shalt  }
0x67: {  	_ =	shalt  }
0x68: {  	_ =	shalt  }
0x69: {  	_ =	shalt  }
0x6a: {  	_ =	shalt  }
0x6b: {  	_ =	shalt  }
0x6c: {  	_ =	shalt  }
0x6d: {  	_ =	shalt  }
0x6e: {  	_ =	shalt  }
0x6f: {  	_ =	shalt  }
0x70: {  	_ =	shalt  }
0x71: {  	_ =	shalt  }
0x72: {  	_ =	shalt  }
0x73: {  	_ =	shalt  }
0x74: {  	_ =	shalt  }
0x75: {  	_ =	shalt  }
0x76: {  	_ =	shalt  }
0x77: {  	_ =	shalt  }
0x78: {  	_ =	shalt  }
0x79: {  	_ =	shalt  }
0x7a: {  	_ =	shalt  }
0x7b: {  	_ =	shalt  }
0x7c: {  	_ =	shalt  }
0x7d: {  	_ =	shalt  }
0x7e: {  	_ =	shalt  }
0x7f: {  	_ =	shalt  }
0x80: {  	_ =	shalt  }
0x81: {  	_ =	shalt  }
0x82: {  	_ =	shalt  }
0x83: {  	_ =	shalt  }
0x84: {  	_ =	shalt  }
0x85: {  	_ =	shalt  }
0x86: {  	_ =	shalt  }
0x87: {  	_ =	shalt  }
.Lfunc_end0:
.L_simem_size_0:
called_computation_lowered:
.L_overlay_start_0:
0x88: {  	s2 =	sld [smem:$0x3FD9]  }
0x89: {  	s3 =	sld [smem:$0x3FFE];
	_ =	sdelay $0x1  }
0x8a: {  	s1 =	srdreg.scid  }
0x8b: {  	s0 =	sand.u32 $0x1, s1  }
0x8c: {  	s17 =	sshll.u32 s0, $0xA;
	s2 =	sadd.s32 s3, s2  }
0x8d: {  	s2 =	sadd.s32 s2, s17  }
0x8e: {  	[smem:$0x3FC1] =	sst s2  }
0x8f: {  	_ = 	snop  }
0x90: {  	s2 =	sld [smem:$0x3FC9];
	(tm) =	ssettm $0x1  }
0x91: {  	s18 =	sld [smem:$0x3FFB];
	_ =	sdelay $0x3  }
0x92: {  	_ =	strace s18  }
0x93: {  	s3 =	sld [smem:$0x3FFC];
	_ =	sdelay $0x3  }
0x94: {  	_ =	strace s3  }
0x95: {  	s3 =	sld [smem:$0x3FFD];
	_ =	sdelay $0x3  }
0x96: {  	_ =	strace s3  }
0x97: {  	_ =	strace $0x8FFFFFFF  }
0x98: {  	s19 =	sld [smem:$0x3FDB];
	_ =	sdelay $0x1  }
0x99: {  	s4 =	simm.s32 $_scs_section_size  }
0x9a: {  	s5 =	simm.s32 $_size__tile_overlayer_lowered;
	s6 =	simm.s32 $_tile_overlayer_lowered  }
0x9b: {  	s22 =	simm.s32 $0x1BFF;
	s21 =	sshll.u32 s6, $0x1;
	s3 =	sadd.s32 s4, s19  }
0x9c: {  	s7 =	simm.s32 $0x0;
	s20 =	sshll.u32 s5, $0x1;
	s5 =	sadd.s32 s21, s3  }
0x9d: {  	[timem:s7], [sflag:s22] =	dma.local [hbm:s5], s20  }
0x9e: {  	_ =	swait.ge [sflag:s22], s20  }
0x9f: {  	s4 =	ssub.s32 $0x0, s20;
	[sflag:s22] =	ssyncset.done $0x0  }
0xa0: {  	[sflag:s22] =	ssyncadd.s32 s4;
	_ =	sdelay $0x1  }
0xa1: {  	s23 =	simm.s32 $0x1B8B  }
0xa2: {  	_ =	swait.ge [sflag:s23], $0x1  }
0xa3: {  	[sflag:s23] =	ssyncset.done $0x0  }
0xa4: {  	s25 =	simm.s32 $0x1B8E;
	s24 =	sld [smem:$0x3FFE];
	[sflag:s23] =	ssyncadd.s32 $0xFFFFFFFF  }
0xa5: {  	s26 =	simm.s32 $execute0_lowered;
	[smem:$0x3FD2] =	sst s25  }
0xa6: {  	s5 =	sshll.u32 s26, $0x1;
	_ =	strace $0x80000046;
	[dreg:$0x1] =	wrdreg $0xFFFFFFFF  }
0xa7: {  	s28 =	simm.s32 $_size_execute0_lowered;
	s3 =	sadd.s32 s3, s5;
	[dreg:$0x0] =	wrdreg $0x0  }
0xa8: {  	s5 =	sshll.u32 s28, $0x1;
	[dreg:$0x2] =	wrdreg s3  }
0xa9: {  	[dreg:$0x3] =	wrdreg s5  }
0xaa: {  	[dreg:$0x4] =	wrdreg $0xC0  }
0xab: {  	_ =	task [dreg:s7], $0x5FFFF  }
0xac: {  	[dreg:$0x1] =	wrdreg $0xFFFFFFFF  }
0xad: {  	[dreg:$0x0] =	wrdreg $0x60  }
0xae: {  	[dreg:$0x2] =	wrdreg s2  }
0xaf: {  	[dreg:$0x3] =	wrdreg s24  }
0xb0: {  	[dreg:$0x4] =	wrdreg $0x9  }
0xb1: {  	_ =	task.clear_ibuf [dreg:s7], $0x5FFFF;
	_ =	strace $0x90000046  }
0xb2: {  	s29 =	simm.s32 $0x9;
	_ =	strace $0x80000048  }
0xb3: {  	_ =	swait.ge [sflag:s29], $0x1  }
0xb4: {  	[sflag:s29] =	ssyncadd.s32 $0xFFFFFFFF  }
0xb5: {  	_ =	strace $0x90000048  }
0xb6: {  	_ =	sfence  }
0xb7: {  	s30 =	sld [smem:$0x0];
	_ =	sdelay $0x2  }
0xb8: {  	s31 =	sshll.u32 s1, $0xD;
	s1 =	sshrl.u32 s1, $0x2  }
0xb9: {  	s3 =	sand.u32 $0x4000, s31;
	s1 =	sadd.s32 s1, s30  }
0xba: {  	s0 =	sor.u32 s3, s0;
	s1 =	sshll.u32 s1, $0x11  }
0xbb: {  	s0 =	sor.u32 s1, s0  }
0xbc: {  	s0 =	sadd.s32 $0x8F2B, s0  }
0xbd: {  	[sflag:s0] =	ssyncadd.remote.s32 $0x1  }
0xbe: {  	_ =	sfence.sel $0xFFFF  }
0xbf: {  	[dreg:$0x0] =	wrdreg $0xFFFFFFFF;
	(pc) =	sbr.abs _section_cstart, $3  }
0xc0: {  	[dreg:$0x1] =	wrdreg $0xFFFFFFFF  }
0xc1: {  	_ =	task.clear_ibuf [dreg:s7], $0x2FFFF;
	_ =	strace $0x9FFFFFFF  }
0xc2: {  	(tm) =	ssettm $0x7FFFFFFF  }
0xc3: {  	_ =	shalt  }
tec
execute0_lowered:
.L_overlay_start_1:
0x0: {  	(tag) =	ssettag $0x1  }
0x1: {  	s1 =	srdreg.scid;
	s3 =	rddreg [dreg:$0x0]  }
0x2: {  	s0 =	stileid.u32;
	s5 =	rddreg [dreg:$0x1];
	s2 =	simm.s32 $0x0  }
0x3: {  	s8 =	simm.s32 $0x80;
	s26 =	simm.s32 $0x880;
	s9 =	simm.s32 $0x1080  }
0x4: {  	s10 =	simm.s32 $0x1880;
	s11 =	simm.s32 $0x2080;
	s12 =	simm.s32 $0x2880  }
0x5: {  	s13 =	simm.s32 $0x3080;
	s14 =	simm.s32 $0x3880;
	s15 =	simm.s32 $0x4080  }
0x6: {  	s16 =	simm.s32 $0x4880;
	s17 =	simm.s32 $0x5080;
	s18 =	simm.s32 $0x5880  }
0x7: {  	s19 =	simm.s32 $0x6080;
	s20 =	simm.s32 $0x6880;
	s21 =	simm.s32 $0x7080  }
0x8: {  	s22 =	simm.s32 $0x7880;
	s23 =	simm.s32 $0x8080;
	s24 =	simm.s32 $0x8880  }
0x9: {  	s28 =	simm.s32 $0xA080;
	s29 =	simm.s32 $0xA880;
	s30 =	simm.s32 $0xB080  }
0xa: {  	s31 =	simm.s32 $0xB880;
	s1 =	sand.u32 $0x1, s1;
	[smem:$0x7FF] =	sst s2  }
0xb: {  	s4 =	sshll.u32 s0, $0x4;
	s6 =	sshll.u32 s1, $0x3;
	_ =	strace $0x80000047  }
0xc: {  	s1 =	ssub.s32 $0x2, s1;
	[dreg:$0x5] =	wrdreg s26;
	s4 =	sor.u32 s6, s4  }
0xd: {  	s26 =	simm.s32 $0x9880;
	s7 =	sshrl.u32 s1, $0x1;
	s6 =	smul.u32 $0x300, s4  }
0xe: {  	s4 =	sadd.s32 s5, s4;
	s1 =	ssub.s32 s1, s7;
	s7 =	simm.s32 $0x2  }
0xf: {  	v2 =	vlaneseq.u32;
	[dreg:$0x3] =	wrdreg s4;
	s4 =	sadd.s32 $0x300, s5;
	s25 =	sadd.s32 s3, s6  }
0x10: {  	vm0 =	vmmov $0xffff;
	v1 =	vshrl.u32 v2, $0x3;
	s3 =	sadd.s32 $0x200, s5;
	s5 =	sadd.s32 $0x400, s5;
	s6 =	smax.u32 s1, $0x1  }
0x11: {  	v0 =	vand.u32 $0x7, v2;
	v2 =	vor.u32 $0x8, v2;
	v1 =	vmul.u32 $0x8, v1;
	s1 =	simm.s32 $0x1;
	[dreg:$0x4] =	wrdreg s25;
	s25 =	simm.s32 $0x9080  }
.LBB2_1:
0x12: {  	s0 =	rddreg [dreg:$0x3]  }
0x13: {  	[tilespmem:s2], [sflag:$0x2] =	stream.linear.gather [hbm4b:s0+s2], $0x40, $0x38;
	[tilespmem:$0xC080] =	vst v63  }
0x14: {  	_ =	swait.ge [sflag:s7], $0x40  }
0x15: {  	[sflag:s7] =	ssyncset.done $0x0  }
0x16: {  	s0 =	rddreg [dreg:$0x4];
	[sflag:s7] =	ssyncadd.s32 $0xFFFFFFC0  }
0x17: {  	[tilespmem:s8], [sflag:$0x2] =	stream.linear.gather [hbm4b:s0+s2], $0xC000, $0x38;
	[tilespmem:$0xC080] =	vst v63  }
0x18: {  	_ =	swait.ge [sflag:s7], $0xC000  }
0x19: {  	[sflag:s7] =	ssyncset.done $0x0  }
0x1a: {  	[sflag:s7] =	ssyncadd.s32 $0xFFFF4000  }
0x1b: {  	v3 =	vld [tilespmem:$0x0];
	_ =	sdelay $0x4  }
0x1c: {  	v4 =	vshrl.u32 v3, $0x3  }
0x1d: {  	v4 =	vmul.u32 $0x30, v4  }
0x1e: {  	v3 =	vand.u32 $0x7, v3  }
0x1f: {  	v3 =	vor.u32 v3, v4  }
0x20: {  	v4 =	vperm.xlane v3, v0;
	_ =	sdelay $0x1  }
0x21: {  	v4 =	vadd.s32 v1, v4;
	_ =	sdelay $0x3  }
0x22: {  	v3 =	vperm.xlane v3, v2  }
0x23: {  	[hbm4b:s3+s2] =	stream.indirect_vreg.scatter [tilespmem:s8], [sflag:$0x1], $0x80, v4, vm0, $0xb8;
	[tilespmem:$0xC080] =	vst v63  }
0x24: {  	s0 =	rddreg [dreg:$0x5];
	v3 =	vadd.s32 v1, v3  }
0x25: {  	[hbm4b:s4+s2] =	stream.indirect_vreg.scatter [tilespmem:s0], [sflag:$0x1], $0x80, v4, vm0, $0xb8;
	[tilespmem:$0xC080] =	vst v63  }
0x26: {  	_ = 	snop  }
0x27: {  	[hbm4b:s5+s2] =	stream.indirect_vreg.scatter [tilespmem:s9], [sflag:$0x1], $0x80, v4, vm0, $0xb8;
	[tilespmem:$0xC080] =	vst v63  }
0x28: {  	_ = 	snop  }
0x29: {  	[hbm4b:s3+s2] =	stream.indirect_vreg.scatter [tilespmem:s10], [sflag:$0x1], $0x80, v3, vm0, $0xb8;
	[tilespmem:$0xC080] =	vst v63  }
0x2a: {  	_ = 	snop  }
0x2b: {  	[hbm4b:s4+s2] =	stream.indirect_vreg.scatter [tilespmem:s11], [sflag:$0x1], $0x80, v3, vm0, $0xb8;
	[tilespmem:$0xC080] =	vst v63  }
0x2c: {  	_ = 	snop  }
0x2d: {  	[hbm4b:s5+s2] =	stream.indirect_vreg.scatter [tilespmem:s12], [sflag:$0x1], $0x80, v3, vm0, $0xb8;
	[tilespmem:$0xC080] =	vst v63  }
0x2e: {  	v3 =	vld [tilespmem:$0x10];
	_ =	sdelay $0x4  }
0x2f: {  	v61 =	vshrl.u32 v3, $0x3  }
0x30: {  	v4 =	vmul.u32 $0x30, v61  }
0x31: {  	v3 =	vand.u32 $0x7, v3  }
0x32: {  	v3 =	vor.u32 v3, v4  }
0x33: {  	v4 =	vperm.xlane v3, v0;
	_ =	sdelay $0x1  }
0x34: {  	v4 =	vadd.s32 v1, v4;
	_ =	sdelay $0x3  }
0x35: {  	v3 =	vperm.xlane v3, v2  }
0x36: {  	[hbm4b:s3+s2] =	stream.indirect_vreg.scatter [tilespmem:s13], [sflag:$0x1], $0x80, v4, vm0, $0xb8;
	[tilespmem:$0xC080] =	vst v63  }
0x37: {  	v3 =	vadd.s32 v1, v3  }
0x38: {  	[hbm4b:s4+s2] =	stream.indirect_vreg.scatter [tilespmem:s14], [sflag:$0x1], $0x80, v4, vm0, $0xb8;
	[tilespmem:$0xC080] =	vst v63  }
0x39: {  	_ = 	snop  }
0x3a: {  	[hbm4b:s5+s2] =	stream.indirect_vreg.scatter [tilespmem:s15], [sflag:$0x1], $0x80, v4, vm0, $0xb8;
	[tilespmem:$0xC080] =	vst v63  }
0x3b: {  	_ = 	snop  }
0x3c: {  	[hbm4b:s3+s2] =	stream.indirect_vreg.scatter [tilespmem:s16], [sflag:$0x1], $0x80, v3, vm0, $0xb8;
	[tilespmem:$0xC080] =	vst v63  }
0x3d: {  	_ = 	snop  }
0x3e: {  	[hbm4b:s4+s2] =	stream.indirect_vreg.scatter [tilespmem:s17], [sflag:$0x1], $0x80, v3, vm0, $0xb8;
	[tilespmem:$0xC080] =	vst v63  }
0x3f: {  	_ = 	snop  }
0x40: {  	[hbm4b:s5+s2] =	stream.indirect_vreg.scatter [tilespmem:s18], [sflag:$0x1], $0x80, v3, vm0, $0xb8;
	[tilespmem:$0xC080] =	vst v63  }
0x41: {  	v3 =	vld [tilespmem:$0x20];
	_ =	sdelay $0x4  }
0x42: {  	v62 =	vshrl.u32 v3, $0x3  }
0x43: {  	v4 =	vmul.u32 $0x30, v62  }
0x44: {  	v3 =	vand.u32 $0x7, v3  }
0x45: {  	v3 =	vor.u32 v3, v4  }
0x46: {  	v4 =	vperm.xlane v3, v0;
	_ =	sdelay $0x1  }
0x47: {  	v4 =	vadd.s32 v1, v4;
	_ =	sdelay $0x3  }
0x48: {  	v3 =	vperm.xlane v3, v2  }
0x49: {  	[hbm4b:s3+s2] =	stream.indirect_vreg.scatter [tilespmem:s19], [sflag:$0x1], $0x80, v4, vm0, $0xb8;
	[tilespmem:$0xC080] =	vst v63  }
0x4a: {  	v3 =	vadd.s32 v1, v3  }
0x4b: {  	[hbm4b:s4+s2] =	stream.indirect_vreg.scatter [tilespmem:s20], [sflag:$0x1], $0x80, v4, vm0, $0xb8;
	[tilespmem:$0xC080] =	vst v63  }
0x4c: {  	_ = 	snop  }
0x4d: {  	[hbm4b:s5+s2] =	stream.indirect_vreg.scatter [tilespmem:s21], [sflag:$0x1], $0x80, v4, vm0, $0xb8;
	[tilespmem:$0xC080] =	vst v63  }
0x4e: {  	_ = 	snop  }
0x4f: {  	[hbm4b:s3+s2] =	stream.indirect_vreg.scatter [tilespmem:s22], [sflag:$0x1], $0x80, v3, vm0, $0xb8;
	[tilespmem:$0xC080] =	vst v63  }
0x50: {  	_ = 	snop  }
0x51: {  	[hbm4b:s4+s2] =	stream.indirect_vreg.scatter [tilespmem:s23], [sflag:$0x1], $0x80, v3, vm0, $0xb8;
	[tilespmem:$0xC080] =	vst v63  }
0x52: {  	_ = 	snop  }
0x53: {  	[hbm4b:s5+s2] =	stream.indirect_vreg.scatter [tilespmem:s24], [sflag:$0x1], $0x80, v3, vm0, $0xb8;
	[tilespmem:$0xC080] =	vst v63  }
0x54: {  	v3 =	vld [tilespmem:$0x30];
	_ =	sdelay $0x4  }
0x55: {  	v63 =	vshrl.u32 v3, $0x3  }
0x56: {  	v4 =	vmul.u32 $0x30, v63  }
0x57: {  	v3 =	vand.u32 $0x7, v3  }
0x58: {  	v3 =	vor.u32 v3, v4  }
0x59: {  	v4 =	vperm.xlane v3, v0;
	_ =	sdelay $0x1  }
0x5a: {  	v4 =	vadd.s32 v1, v4;
	_ =	sdelay $0x3  }
0x5b: {  	v3 =	vperm.xlane v3, v2  }
0x5c: {  	[hbm4b:s3+s2] =	stream.indirect_vreg.scatter [tilespmem:s25], [sflag:$0x1], $0x80, v4, vm0, $0xb8;
	[tilespmem:$0xC080] =	vst v63  }
0x5d: {  	v3 =	vadd.s32 v1, v3  }
0x5e: {  	[hbm4b:s4+s2] =	stream.indirect_vreg.scatter [tilespmem:s26], [sflag:$0x1], $0x80, v4, vm0, $0xb8;
	[tilespmem:$0xC080] =	vst v63  }
0x5f: {  	_ = 	snop  }
0x60: {  	[hbm4b:s5+s2] =	stream.indirect_vreg.scatter [tilespmem:s28], [sflag:$0x1], $0x80, v4, vm0, $0xb8;
	[tilespmem:$0xC080] =	vst v63  }
0x61: {  	_ = 	snop  }
0x62: {  	[hbm4b:s3+s2] =	stream.indirect_vreg.scatter [tilespmem:s29], [sflag:$0x1], $0x80, v3, vm0, $0xb8;
	[tilespmem:$0xC080] =	vst v63  }
0x63: {  	p0 =	sne.s32 s6, $0x1  }
0x64: {  	[hbm4b:s4+s2] =	stream.indirect_vreg.scatter [tilespmem:s30], [sflag:$0x1], $0x80, v3, vm0, $0xb8;
	[tilespmem:$0xC080] =	vst v63  }
.Ltmp0:
0x65: {  	_ = 	snop;
	(pc) =	sbr.rel @p0 .LBB2_1-.Ltmp0, $4  }
0x66: {  	[hbm4b:s5+s2] =	stream.indirect_vreg.scatter [tilespmem:s31], [sflag:$0x1], $0x80, v3, vm0, $0xb8;
	[tilespmem:$0xC080] =	vst v63  }
0x67: {  	_ =	swait.ge [sflag:s1], $0xC000  }
0x68: {  	[sflag:s1] =	ssyncset.done $0x0  }
0x69: {  	s6 =	sadd.s32 $0xFFFFFFFF, s6;
	[sflag:s1] =	ssyncadd.s32 $0xFFFF4000  }
0x6a: {  	_ =	sfence.sel $0x180000  }
0x6b: {  	[bflag:$0x0] =	sbarrier.arrive $0xFFFF  }
0x6c: {  	_ =	strace $0x90000047  }
0x6d: {  	s0 =	stileid.u32;
	[bflag:$0x2] =	sbarrier.arrive $0xFFFF  }
0x6e: {  	p0 =	sne.s32 s0, $0x0;
	s0 =	rddreg [dreg:$0x2]  }
0x6f: {  	s0 =	sadd.s32 @!p0 $0x100000, s0  }
0x70: {  	[sflag:s0] =	ssyncadd.tile.s32 @!p0 $0x1;
	_ =	shalt  }
.Lfunc_end2:
_tile_overlayer_lowered:
.L_overlay_start_2:
0x71: {  	(tag) =	ssettag $0x2  }
0x72: {  	s0 =	rddreg [dreg:$0x0];
	s2 =	stileid.u32  }
0x73: {  	s1 =	rddreg [dreg:$0x1];
	p0 =	sne.s32 s2, $0x0  }
0x74: {  	s3 =	rddreg [dreg:$0x2];
	[bflag:$0x3] =	sbarrier.arrive $0xFFFF;
	s2 =	simm.s32 @!p0 $0x1C02  }
0x75: {  	[timem:s3], [sflag:s2] =	dma.local @!p0 [hbm:s0], s1  }
0x76: {  	s0 =	simm.s32 @!p0 $0x2  }
0x77: {  	_ =	swait.ge @!p0 [sflag:s0], s1  }
0x78: {  	s1 =	ssub.s32 @!p0 $0x0, s1;
	[sflag:s0] =	ssyncset.done @!p0 $0x0  }
0x79: {  	[sflag:s0] =	ssyncadd.s32 @!p0 s1  }
0x7a: {  	[bflag:$0x3] =	sbarrier.arrive $0xFFFF  }
0x7b: {  	_ =	shalt  }

// kernel: kernel.15.cloned.1.call-start
scs
__scs_entry_jumppad:
0x0: {  	(pc) =	sbr.rel $0x88, $3  }
0x1: {  	(tag) =	ssettag $0x0;
	lr =	simm.s32 $0x1  }
0x2: {  	[smem:$0x3F9A] =	sst lr;
	_ =	strace $0xD0000000  }
0x3: {  	_ = 	snop  }
0x4: {  	_ = 	snop  }
0x5: {  	_ = 	snop  }
0x6: {  	_ = 	snop  }
0x7: {  	_ = 	snop  }
__scs_overlays_trampoline_lowered:
0x8: {  	[smem:$0x3FA9] =	sst s0  }
0x9: {  	[smem:$0x3FAA] =	sst s1  }
0xa: {  	[smem:$0x3FAB] =	sst s2  }
0xb: {  	[smem:$0x3FAC] =	sst s3  }
0xc: {  	[smem:$0x3FAD] =	sst s4  }
0xd: {  	[smem:$0x3FAE] =	sst s5  }
0xe: {  	[smem:$0x3FAF] =	sst s6  }
0xf: {  	[smem:$0x3FB0] =	sst s7  }
0x10: {  	[smem:$0x3FB1] =	sst s8  }
0x11: {  	[smem:$0x3FB2] =	sst s9;
	s0 =	simm.s32 @!p0 $0x0  }
0x12: {  	s1 =	sld [smem:$0x3F98];
	s0 =	simm.s32 @p0 $0x1  }
0x13: {  	[smem:$0x3FB3] =	sst s0;
	s0 =	simm.s32 @!p1 $0x0  }
0x14: {  	s2 =	sld [smem:$0x3F97];
	s0 =	simm.s32 @p1 $0x1  }
0x15: {  	[smem:$0x3FB4] =	sst s0;
	s0 =	simm.s32 @!p2 $0x0  }
0x16: {  	s3 =	sld [smem:$0x3FDB];
	s0 =	simm.s32 @p2 $0x1  }
0x17: {  	s4 =	simm.s32 $0x1BF5;
	[smem:$0x3FB6] =	sst s0  }
0x18: {  	s0 =	sld [smem:$0x3F99];
	_ =	swait.ge [sflag:s4], $0x0  }
0x19: {  	s7 =	sld [smem:$0x3F9A]  }
0x1a: {  	s8 =	sadd.s32 $0xFFFFE003, lr  }
0x1b: {  	s9 =	sadd.s32 $0xFFFFFEF7, lr;
	s5 =	simm.s32 $0xFFFFFFFF;
	p2 =	slt.u32 s8, $0xFFFFF086  }
0x1c: {  	p1 =	slt.u32 s9, $0xF7A;
	s5 =	simm.s32 @!p2 $0x0  }
0x1d: {  	s5 =	simm.s32 @p1 $0x1;
	p0 =	seq.s32 s7, s2  }
0x1e: {  	s7 =	smul.u32 @!p0 $0xF7A, s2;
	p2 =	seq.s32 @!p0 s5, $0x0  }
0x1f: {  	s9 =	smul.u32 $0xF7A, s1;
	s8 =	simm.s32 @!p0 $0x1BF5;
	p2 =	por !p2, p0  }
0x20: {  	[sflag:s8] =	ssyncset.s32 @!p0 $0xFFFFF086;
	s6 =	sadd.s32 @!p0 s3, s7;
	s7 =	simm.s32 @!p0 $0x108  }
0x21: {  	s3 =	sadd.s32 s3, s9;
	s6 =	sadd.s32 @!p0 $0x88, s6;
	s7 =	simm.s32 @p2 $0x1082  }
0x22: {  	[simem:s7], [sflag:s8] =	dma.local @!p0 [hbm:s6], $0xF7A  }
0x23: {  	s9 =	sor.u32 $0xD0000000, s2;
	s6 =	simm.s32 $0x108;
	_ =	swait.ge @!p0 [sflag:s8], $0x0  }
0x24: {  	s3 =	sadd.s32 $0x88, s3;
	s6 =	simm.s32 @!p1 $0x1082;
	[sflag:s4] =	ssyncset.s32 $0xFFFFF086  }
0x25: {  	[simem:s6], [sflag:s4] =	dma.local [hbm:s3], $0xF7A  }
0x26: {  	[smem:$0x3F9A] =	sst s1;
	(tag) =	ssettag s2;
	_ =	strace s9  }
0x27: {  	s1 =	sld [smem:$0x3FAA]  }
0x28: {  	s2 =	sld [smem:$0x3FAB]  }
0x29: {  	s4 =	sld [smem:$0x3FAD]  }
0x2a: {  	p0 =	seq.s32 s5, $0x0;
	s5 =	sld [smem:$0x3FAE]  }
0x2b: {  	s6 =	sld [smem:$0x3FAF]  }
0x2c: {  	s7 =	sld [smem:$0x3FB0]  }
0x2d: {  	s3 =	simm.s32 $0x108;
	s8 =	sld [smem:$0x3FB1]  }
0x2e: {  	s3 =	simm.s32 @!p0 $0x1082;
	s9 =	sld [smem:$0x3FB2]  }
0x2f: {  	lr =	sadd.s32 s0, s3;
	s0 =	sld [smem:$0x3FA9]  }
0x30: {  	s3 =	sld [smem:$0x3FAC]  }
0x31: {  	[smem:$0x3FB5] =	sst s10  }
0x32: {  	s10 =	sld [smem:$0x3FB3];
	_ =	sdelay $0x3  }
0x33: {  	p0 =	seq.s32 s10, $0x1;
	s10 =	sld [smem:$0x3FB5];
	_ =	sdelay $0x3  }
0x34: {  	[smem:$0x3FB5] =	sst s10  }
0x35: {  	s10 =	sld [smem:$0x3FB4];
	_ =	sdelay $0x3  }
0x36: {  	p1 =	seq.s32 s10, $0x1;
	s10 =	sld [smem:$0x3FB5];
	_ =	sdelay $0x3  }
0x37: {  	[smem:$0x3FB5] =	sst s10  }
0x38: {  	s10 =	sld [smem:$0x3FB6]  }
0x39: {  	_ = 	snop;
	(pc) =	sbr.ind lr, $3  }
0x3a: {  	_ = 	snop  }
0x3b: {  	_ = 	snop  }
0x3c: {  	p2 =	seq.s32 s10, $0x1;
	s10 =	sld [smem:$0x3FB5]  }
0x3d: {  	_ =	shalt  }
0x3e: {  	_ =	shalt  }
0x3f: {  	_ =	shalt  }
0x40: {  	_ =	shalt  }
0x41: {  	_ =	shalt  }
0x42: {  	_ =	shalt  }
0x43: {  	_ =	shalt  }
0x44: {  	_ =	shalt  }
0x45: {  	_ =	shalt  }
0x46: {  	_ =	shalt  }
0x47: {  	_ =	shalt  }
0x48: {  	_ =	shalt  }
0x49: {  	_ =	shalt  }
0x4a: {  	_ =	shalt  }
0x4b: {  	_ =	shalt  }
0x4c: {  	_ =	shalt  }
0x4d: {  	_ =	shalt  }
0x4e: {  	_ =	shalt  }
0x4f: {  	_ =	shalt  }
0x50: {  	_ =	shalt  }
0x51: {  	_ =	shalt  }
0x52: {  	_ =	shalt  }
0x53: {  	_ =	shalt  }
0x54: {  	_ =	shalt  }
0x55: {  	_ =	shalt  }
0x56: {  	_ =	shalt  }
0x57: {  	_ =	shalt  }
0x58: {  	_ =	shalt  }
0x59: {  	_ =	shalt  }
0x5a: {  	_ =	shalt  }
0x5b: {  	_ =	shalt  }
0x5c: {  	_ =	shalt  }
0x5d: {  	_ =	shalt  }
0x5e: {  	_ =	shalt  }
0x5f: {  	_ =	shalt  }
0x60: {  	_ =	shalt  }
0x61: {  	_ =	shalt  }
0x62: {  	_ =	shalt  }
0x63: {  	_ =	shalt  }
0x64: {  	_ =	shalt  }
0x65: {  	_ =	shalt  }
0x66: {  	_ =	shalt  }
0x67: {  	_ =	shalt  }
0x68: {  	_ =	shalt  }
0x69: {  	_ =	shalt  }
0x6a: {  	_ =	shalt  }
0x6b: {  	_ =	shalt  }
0x6c: {  	_ =	shalt  }
0x6d: {  	_ =	shalt  }
0x6e: {  	_ =	shalt  }
0x6f: {  	_ =	shalt  }
0x70: {  	_ =	shalt  }
0x71: {  	_ =	shalt  }
0x72: {  	_ =	shalt  }
0x73: {  	_ =	shalt  }
0x74: {  	_ =	shalt  }
0x75: {  	_ =	shalt  }
0x76: {  	_ =	shalt  }
0x77: {  	_ =	shalt  }
0x78: {  	_ =	shalt  }
0x79: {  	_ =	shalt  }
0x7a: {  	_ =	shalt  }
0x7b: {  	_ =	shalt  }
0x7c: {  	_ =	shalt  }
0x7d: {  	_ =	shalt  }
0x7e: {  	_ =	shalt  }
0x7f: {  	_ =	shalt  }
0x80: {  	_ =	shalt  }
0x81: {  	_ =	shalt  }
0x82: {  	_ =	shalt  }
0x83: {  	_ =	shalt  }
0x84: {  	_ =	shalt  }
0x85: {  	_ =	shalt  }
0x86: {  	_ =	shalt  }
0x87: {  	_ =	shalt  }
.Lfunc_end0:
.L_simem_size_0:
called_computation.1_lowered:
.L_overlay_start_0:
0x88: {  	s2 =	sld [smem:$0x3FD9]  }
0x89: {  	s3 =	sld [smem:$0x3FFE];
	_ =	sdelay $0x1  }
0x8a: {  	s1 =	srdreg.scid  }
0x8b: {  	s0 =	sand.u32 $0x1, s1  }
0x8c: {  	s16 =	sshll.u32 s0, $0xA;
	s2 =	sadd.s32 s3, s2  }
0x8d: {  	s2 =	sadd.s32 s2, s16  }
0x8e: {  	[smem:$0x3FC1] =	sst s2  }
0x8f: {  	_ = 	snop  }
0x90: {  	(tm) =	ssettm $0x1  }
0x91: {  	s17 =	sld [smem:$0x3FFB];
	_ =	sdelay $0x3  }
0x92: {  	_ =	strace s17  }
0x93: {  	s2 =	sld [smem:$0x3FFC];
	_ =	sdelay $0x3  }
0x94: {  	_ =	strace s2  }
0x95: {  	s2 =	sld [smem:$0x3FFD];
	_ =	sdelay $0x3  }
0x96: {  	_ =	strace s2  }
0x97: {  	_ =	strace $0x8FFFFFFF  }
0x98: {  	s18 =	sld [smem:$0x3FDB];
	_ =	sdelay $0x1  }
0x99: {  	s19 =	simm.s32 $_scs_section_size  }
0x9a: {  	s4 =	simm.s32 $_size__tile_overlayer_lowered;
	s5 =	simm.s32 $_tile_overlayer_lowered  }
0x9b: {  	s22 =	simm.s32 $0x1BFF;
	s21 =	sshll.u32 s5, $0x1;
	s2 =	sadd.s32 s19, s18  }
0x9c: {  	s6 =	simm.s32 $0x0;
	s20 =	sshll.u32 s4, $0x1;
	s4 =	sadd.s32 s21, s2  }
0x9d: {  	[timem:s6], [sflag:s22] =	dma.local [hbm:s4], s20  }
0x9e: {  	_ =	swait.ge [sflag:s22], s20  }
0x9f: {  	s3 =	ssub.s32 $0x0, s20;
	[sflag:s22] =	ssyncset.done $0x0  }
0xa0: {  	[sflag:s22] =	ssyncadd.s32 s3;
	_ =	sdelay $0x1  }
0xa1: {  	s23 =	simm.s32 $0x1B8B  }
0xa2: {  	_ =	swait.ge [sflag:s23], $0x1  }
0xa3: {  	[sflag:s23] =	ssyncset.done $0x0  }
0xa4: {  	s25 =	simm.s32 $0x1B8E;
	s24 =	sld [smem:$0x3FFE];
	[sflag:s23] =	ssyncadd.s32 $0xFFFFFFFF  }
0xa5: {  	s26 =	simm.s32 $execute0_lowered;
	[smem:$0x3FD2] =	sst s25  }
0xa6: {  	s4 =	sshll.u32 s26, $0x1;
	_ =	strace $0x80000049;
	[dreg:$0x1] =	wrdreg $0xFFFFFFFF  }
0xa7: {  	s28 =	simm.s32 $_size_execute0_lowered;
	s2 =	sadd.s32 s2, s4;
	[dreg:$0x0] =	wrdreg $0x0  }
0xa8: {  	s4 =	sshll.u32 s28, $0x1;
	[dreg:$0x2] =	wrdreg s2  }
0xa9: {  	[dreg:$0x3] =	wrdreg s4  }
0xaa: {  	[dreg:$0x4] =	wrdreg $0xC0  }
0xab: {  	_ =	task [dreg:s6], $0x5FFFF  }
0xac: {  	[dreg:$0x1] =	wrdreg $0xFFFFFFFF  }
0xad: {  	[dreg:$0x0] =	wrdreg $0x60  }
0xae: {  	[dreg:$0x2] =	wrdreg s24  }
0xaf: {  	[dreg:$0x3] =	wrdreg $0x9  }
0xb0: {  	_ =	task.clear_ibuf [dreg:s6], $0x4FFFF;
	_ =	strace $0x90000049  }
0xb1: {  	s29 =	simm.s32 $0x9;
	_ =	strace $0x8000004B  }
0xb2: {  	_ =	swait.ge [sflag:s29], $0x1  }
0xb3: {  	[sflag:s29] =	ssyncadd.s32 $0xFFFFFFFF  }
0xb4: {  	_ =	strace $0x9000004B  }
0xb5: {  	_ =	sfence  }
0xb6: {  	s30 =	sld [smem:$0x0];
	_ =	sdelay $0x2  }
0xb7: {  	s31 =	sshll.u32 s1, $0xD;
	s1 =	sshrl.u32 s1, $0x2  }
0xb8: {  	s3 =	sand.u32 $0x4000, s31;
	s1 =	sadd.s32 s1, s30  }
0xb9: {  	s0 =	sor.u32 s3, s0;
	s1 =	sshll.u32 s1, $0x11  }
0xba: {  	s0 =	sor.u32 s1, s0  }
0xbb: {  	s0 =	sadd.s32 $0x8F2B, s0  }
0xbc: {  	[sflag:s0] =	ssyncadd.remote.s32 $0x1  }
0xbd: {  	_ =	sfence.sel $0xFFFF  }
0xbe: {  	[dreg:$0x0] =	wrdreg $0xFFFFFFFF;
	(pc) =	sbr.abs _section_cstart, $3  }
0xbf: {  	[dreg:$0x1] =	wrdreg $0xFFFFFFFF  }
0xc0: {  	_ =	task.clear_ibuf [dreg:s6], $0x2FFFF;
	_ =	strace $0x9FFFFFFF  }
0xc1: {  	(tm) =	ssettm $0x7FFFFFFF  }
tec
execute0_lowered:
.L_overlay_start_1:
0x0: {  	(tag) =	ssettag $0x1  }
0x1: {  	s24 =	rddreg [dreg:$0x0];
	s2 =	simm.s32 $0x0  }
0x2: {  	s0 =	stileid.u32;
	s25 =	simm.s32 $0x880;
	[smem:$0x7FF] =	sst s2  }
0x3: {  	s26 =	simm.s32 $0x1080;
	_ =	strace $0x8000004A;
	[dreg:$0x4] =	wrdreg s25  }
0x4: {  	s3 =	sshll.u32 s0, $0x4;
	s0 =	simm.s32 $0x1880;
	[dreg:$0x5] =	wrdreg s26  }
0x5: {  	s6 =	simm.s32 $0x2880;
	[dreg:$0x6] =	wrdreg s0  }
0x6: {  	s7 =	simm.s32 $0x3080;
	[dreg:$0x8] =	wrdreg s6  }
0x7: {  	s8 =	simm.s32 $0x3880;
	[dreg:$0x9] =	wrdreg s7  }
0x8: {  	s9 =	simm.s32 $0x4080;
	[dreg:$0xa] =	wrdreg s8  }
0x9: {  	s10 =	simm.s32 $0x4880;
	[dreg:$0xb] =	wrdreg s9  }
0xa: {  	s11 =	simm.s32 $0x5080;
	[dreg:$0xc] =	wrdreg s10  }
0xb: {  	s12 =	simm.s32 $0x5880;
	[dreg:$0xd] =	wrdreg s11  }
0xc: {  	s1 =	srdreg.scid;
	s13 =	simm.s32 $0x6080;
	[dreg:$0xe] =	wrdreg s12  }
0xd: {  	s14 =	simm.s32 $0x6880;
	s15 =	simm.s32 $0x7080;
	[dreg:$0xf] =	wrdreg s13  }
0xe: {  	s16 =	simm.s32 $0x7880;
	s17 =	simm.s32 $0x8080;
	[dreg:$0x10] =	wrdreg s14  }
0xf: {  	s18 =	simm.s32 $0x8880;
	s19 =	simm.s32 $0x9080;
	[dreg:$0x11] =	wrdreg s15  }
0x10: {  	s20 =	simm.s32 $0x9880;
	s21 =	simm.s32 $0xA080;
	[dreg:$0x12] =	wrdreg s16  }
0x11: {  	s22 =	simm.s32 $0xA880;
	s23 =	simm.s32 $0xC880;
	[dreg:$0x13] =	wrdreg s17  }
0x12: {  	s28 =	simm.s32 $0x16080;
	s29 =	simm.s32 $0x16880;
	[dreg:$0x14] =	wrdreg s18  }
0x13: {  	s30 =	simm.s32 $0x17080;
	s31 =	simm.s32 $0x17880;
	[dreg:$0x15] =	wrdreg s19  }
0x14: {  	s4 =	sand.u32 $0x1, s1;
	s1 =	simm.s32 $0x1;
	[dreg:$0x16] =	wrdreg s20  }
0x15: {  	s5 =	sshll.u32 s4, $0x3;
	s4 =	ssub.s32 $0x2, s4;
	[dreg:$0x17] =	wrdreg s21  }
0x16: {  	[dreg:$0x18] =	wrdreg s22;
	s7 =	simm.s32 $0xB080;
	s8 =	simm.s32 $0xB880  }
0x17: {  	s10 =	simm.s32 $0xC080;
	[dreg:$0x1c] =	wrdreg s23;
	s25 =	simm.s32 $0xD880  }
0x18: {  	s11 =	simm.s32 $0x80;
	s26 =	simm.s32 $0xE080;
	s13 =	simm.s32 $0xF080  }
0x19: {  	s14 =	simm.s32 $0xF880;
	s15 =	simm.s32 $0x10080;
	s16 =	simm.s32 $0x10880  }
0x1a: {  	s17 =	simm.s32 $0x11080;
	s18 =	simm.s32 $0x11880;
	s19 =	simm.s32 $0x12080  }
0x1b: {  	s20 =	simm.s32 $0x12880;
	s21 =	simm.s32 $0x13080;
	s22 =	simm.s32 $0x13880  }
0x1c: {  	s23 =	simm.s32 $0x14080;
	s3 =	sor.u32 s5, s3;
	[dreg:$0x19] =	wrdreg s7  }
0x1d: {  	s6 =	sshrl.u32 s4, $0x1;
	s7 =	sadd.s32 $0x62000, s24;
	[dreg:$0x1a] =	wrdreg s8  }
0x1e: {  	s8 =	sadd.s32 $0x62100, s24;
	[dreg:$0x1b] =	wrdreg s10;
	s10 =	simm.s32 $0x2  }
0x1f: {  	[dreg:$0x1e] =	wrdreg s25;
	s5 =	sadd.s32 s3, s24;
	s3 =	smul.u32 $0x600, s3  }
0x20: {  	[dreg:$0x1f] =	wrdreg s26;
	s25 =	simm.s32 $0x15080;
	s5 =	sadd.s32 $0x61A00, s5  }
0x21: {  	s26 =	simm.s32 $0x15880;
	[dreg:$0x2] =	wrdreg s5;
	s3 =	sadd.s32 s24, s3  }
0x22: {  	s9 =	ssub.s32 s4, s6;
	s5 =	simm.s32 $0x2080;
	[dreg:$0x3] =	wrdreg s3  }
0x23: {  	v2 =	vlaneseq.u32;
	s4 =	sadd.s32 $0x61D00, s24;
	s6 =	sadd.s32 $0x61F00, s24;
	[dreg:$0x7] =	wrdreg s5  }
0x24: {  	vm0 =	vmmov $0xffff;
	v1 =	vshrl.u32 v2, $0x3;
	s3 =	sadd.s32 $0x61C00, s24;
	s5 =	sadd.s32 $0x61E00, s24;
	s24 =	simm.s32 $0xD080  }
0x25: {  	v0 =	vand.u32 $0x7, v2;
	v2 =	vor.u32 $0x8, v2;
	v1 =	vmul.u32 $0x8, v1;
	s9 =	smax.u32 s9, $0x1;
	[dreg:$0x1d] =	wrdreg s24;
	s24 =	simm.s32 $0x14880  }
.LBB2_1:
0x26: {  	s0 =	rddreg [dreg:$0x2]  }
0x27: {  	[tilespmem:s2], [sflag:$0x2] =	stream.linear.gather [hbm4b:s0+s2], $0x40, $0x38;
	[tilespmem:$0x18080] =	vst v63  }
0x28: {  	_ =	swait.ge [sflag:s10], $0x40  }
0x29: {  	[sflag:s10] =	ssyncset.done $0x0  }
0x2a: {  	[sflag:s10] =	ssyncadd.s32 $0xFFFFFFC0  }
0x2b: {  	v3 =	vld [tilespmem:$0x0];
	_ =	sdelay $0x4  }
0x2c: {  	v4 =	vshrl.u32 v3, $0x3  }
0x2d: {  	v4 =	vmul.u32 $0x60, v4  }
0x2e: {  	v3 =	vand.u32 $0x7, v3  }
0x2f: {  	v3 =	vor.u32 v3, v4  }
0x30: {  	v4 =	vperm.xlane v3, v0;
	_ =	sdelay $0x1  }
0x31: {  	v4 =	vadd.s32 v1, v4;
	_ =	sdelay $0x4  }
0x32: {  	[tilespmem:s11], [sflag:$0x1] =	stream.indirect_vreg.gather [hbm4b:s3+s2], $0x80, v4, vm0, $0xb8;
	[tilespmem:$0x18080] =	vst v63  }
0x33: {  	s0 =	rddreg [dreg:$0x4]  }
0x34: {  	[tilespmem:s0], [sflag:$0x1] =	stream.indirect_vreg.gather [hbm4b:s4+s2], $0x80, v4, vm0, $0xb8;
	[tilespmem:$0x18080] =	vst v63  }
0x35: {  	s12 =	rddreg [dreg:$0x5]  }
0x36: {  	[tilespmem:s12], [sflag:$0x1] =	stream.indirect_vreg.gather [hbm4b:s5+s2], $0x80, v4, vm0, $0xb8;
	[tilespmem:$0x18080] =	vst v63  }
0x37: {  	v3 =	vperm.xlane v3, v2;
	s0 =	rddreg [dreg:$0x6]  }
0x38: {  	[tilespmem:s0], [sflag:$0x1] =	stream.indirect_vreg.gather [hbm4b:s6+s2], $0x80, v4, vm0, $0xb8;
	[tilespmem:$0x18080] =	vst v63  }
0x39: {  	v3 =	vadd.s32 v1, v3;
	s12 =	rddreg [dreg:$0x7]  }
0x3a: {  	[tilespmem:s12], [sflag:$0x1] =	stream.indirect_vreg.gather [hbm4b:s7+s2], $0x80, v4, vm0, $0xb8;
	[tilespmem:$0x18080] =	vst v63  }
0x3b: {  	s0 =	rddreg [dreg:$0x8]  }
0x3c: {  	[tilespmem:s0], [sflag:$0x1] =	stream.indirect_vreg.gather [hbm4b:s8+s2], $0x80, v4, vm0, $0xb8;
	[tilespmem:$0x18080] =	vst v63  }
0x3d: {  	s12 =	rddreg [dreg:$0x9]  }
0x3e: {  	[tilespmem:s12], [sflag:$0x1] =	stream.indirect_vreg.gather [hbm4b:s3+s2], $0x80, v3, vm0, $0xb8;
	[tilespmem:$0x18080] =	vst v63  }
0x3f: {  	s0 =	rddreg [dreg:$0xa]  }
0x40: {  	[tilespmem:s0], [sflag:$0x1] =	stream.indirect_vreg.gather [hbm4b:s4+s2], $0x80, v3, vm0, $0xb8;
	[tilespmem:$0x18080] =	vst v63  }
0x41: {  	s12 =	rddreg [dreg:$0xb]  }
0x42: {  	[tilespmem:s12], [sflag:$0x1] =	stream.indirect_vreg.gather [hbm4b:s5+s2], $0x80, v3, vm0, $0xb8;
	[tilespmem:$0x18080] =	vst v63  }
0x43: {  	s0 =	rddreg [dreg:$0xc]  }
0x44: {  	[tilespmem:s0], [sflag:$0x1] =	stream.indirect_vreg.gather [hbm4b:s6+s2], $0x80, v3, vm0, $0xb8;
	[tilespmem:$0x18080] =	vst v63  }
0x45: {  	s12 =	rddreg [dreg:$0xd]  }
0x46: {  	[tilespmem:s12], [sflag:$0x1] =	stream.indirect_vreg.gather [hbm4b:s7+s2], $0x80, v3, vm0, $0xb8;
	[tilespmem:$0x18080] =	vst v63  }
0x47: {  	s0 =	rddreg [dreg:$0xe]  }
0x48: {  	[tilespmem:s0], [sflag:$0x1] =	stream.indirect_vreg.gather [hbm4b:s8+s2], $0x80, v3, vm0, $0xb8;
	[tilespmem:$0x18080] =	vst v63  }
0x49: {  	v3 =	vld [tilespmem:$0x10];
	_ =	sdelay $0x4  }
0x4a: {  	v61 =	vshrl.u32 v3, $0x3  }
0x4b: {  	v4 =	vmul.u32 $0x60, v61  }
0x4c: {  	v3 =	vand.u32 $0x7, v3  }
0x4d: {  	v3 =	vor.u32 v3, v4  }
0x4e: {  	v4 =	vperm.xlane v3, v0;
	_ =	sdelay $0x1  }
0x4f: {  	v4 =	vadd.s32 v1, v4;
	_ =	sdelay $0x3  }
0x50: {  	s0 =	rddreg [dreg:$0xf]  }
0x51: {  	[tilespmem:s0], [sflag:$0x1] =	stream.indirect_vreg.gather [hbm4b:s3+s2], $0x80, v4, vm0, $0xb8;
	[tilespmem:$0x18080] =	vst v63  }
0x52: {  	s12 =	rddreg [dreg:$0x10]  }
0x53: {  	[tilespmem:s12], [sflag:$0x1] =	stream.indirect_vreg.gather [hbm4b:s4+s2], $0x80, v4, vm0, $0xb8;
	[tilespmem:$0x18080] =	vst v63  }
0x54: {  	s0 =	rddreg [dreg:$0x11]  }
0x55: {  	[tilespmem:s0], [sflag:$0x1] =	stream.indirect_vreg.gather [hbm4b:s5+s2], $0x80, v4, vm0, $0xb8;
	[tilespmem:$0x18080] =	vst v63  }
0x56: {  	v3 =	vperm.xlane v3, v2;
	s12 =	rddreg [dreg:$0x12]  }
0x57: {  	[tilespmem:s12], [sflag:$0x1] =	stream.indirect_vreg.gather [hbm4b:s6+s2], $0x80, v4, vm0, $0xb8;
	[tilespmem:$0x18080] =	vst v63  }
0x58: {  	v3 =	vadd.s32 v1, v3;
	s0 =	rddreg [dreg:$0x13]  }
0x59: {  	[tilespmem:s0], [sflag:$0x1] =	stream.indirect_vreg.gather [hbm4b:s7+s2], $0x80, v4, vm0, $0xb8;
	[tilespmem:$0x18080] =	vst v63  }
0x5a: {  	s12 =	rddreg [dreg:$0x14]  }
0x5b: {  	[tilespmem:s12], [sflag:$0x1] =	stream.indirect_vreg.gather [hbm4b:s8+s2], $0x80, v4, vm0, $0xb8;
	[tilespmem:$0x18080] =	vst v63  }
0x5c: {  	s0 =	rddreg [dreg:$0x15]  }
0x5d: {  	[tilespmem:s0], [sflag:$0x1] =	stream.indirect_vreg.gather [hbm4b:s3+s2], $0x80, v3, vm0, $0xb8;
	[tilespmem:$0x18080] =	vst v63  }
0x5e: {  	s12 =	rddreg [dreg:$0x16]  }
0x5f: {  	[tilespmem:s12], [sflag:$0x1] =	stream.indirect_vreg.gather [hbm4b:s4+s2], $0x80, v3, vm0, $0xb8;
	[tilespmem:$0x18080] =	vst v63  }
0x60: {  	s0 =	rddreg [dreg:$0x17]  }
0x61: {  	[tilespmem:s0], [sflag:$0x1] =	stream.indirect_vreg.gather [hbm4b:s5+s2], $0x80, v3, vm0, $0xb8;
	[tilespmem:$0x18080] =	vst v63  }
0x62: {  	s12 =	rddreg [dreg:$0x18]  }
0x63: {  	[tilespmem:s12], [sflag:$0x1] =	stream.indirect_vreg.gather [hbm4b:s6+s2], $0x80, v3, vm0, $0xb8;
	[tilespmem:$0x18080] =	vst v63  }
0x64: {  	s0 =	rddreg [dreg:$0x19]  }
0x65: {  	[tilespmem:s0], [sflag:$0x1] =	stream.indirect_vreg.gather [hbm4b:s7+s2], $0x80, v3, vm0, $0xb8;
	[tilespmem:$0x18080] =	vst v63  }
0x66: {  	s12 =	rddreg [dreg:$0x1a]  }
0x67: {  	[tilespmem:s12], [sflag:$0x1] =	stream.indirect_vreg.gather [hbm4b:s8+s2], $0x80, v3, vm0, $0xb8;
	[tilespmem:$0x18080] =	vst v63  }
0x68: {  	v3 =	vld [tilespmem:$0x20];
	_ =	sdelay $0x4  }
0x69: {  	v62 =	vshrl.u32 v3, $0x3  }
0x6a: {  	v4 =	vmul.u32 $0x60, v62  }
0x6b: {  	v3 =	vand.u32 $0x7, v3  }
0x6c: {  	v3 =	vor.u32 v3, v4  }
0x6d: {  	v4 =	vperm.xlane v3, v0;
	_ =	sdelay $0x1  }
0x6e: {  	v4 =	vadd.s32 v1, v4;
	_ =	sdelay $0x3  }
0x6f: {  	s0 =	rddreg [dreg:$0x1b]  }
0x70: {  	[tilespmem:s0], [sflag:$0x1] =	stream.indirect_vreg.gather [hbm4b:s3+s2], $0x80, v4, vm0, $0xb8;
	[tilespmem:$0x18080] =	vst v63  }
0x71: {  	s12 =	rddreg [dreg:$0x1c]  }
0x72: {  	[tilespmem:s12], [sflag:$0x1] =	stream.indirect_vreg.gather [hbm4b:s4+s2], $0x80, v4, vm0, $0xb8;
	[tilespmem:$0x18080] =	vst v63  }
0x73: {  	s0 =	rddreg [dreg:$0x1d]  }
0x74: {  	[tilespmem:s0], [sflag:$0x1] =	stream.indirect_vreg.gather [hbm4b:s5+s2], $0x80, v4, vm0, $0xb8;
	[tilespmem:$0x18080] =	vst v63  }
0x75: {  	v3 =	vperm.xlane v3, v2;
	s12 =	rddreg [dreg:$0x1e]  }
0x76: {  	[tilespmem:s12], [sflag:$0x1] =	stream.indirect_vreg.gather [hbm4b:s6+s2], $0x80, v4, vm0, $0xb8;
	[tilespmem:$0x18080] =	vst v63  }
0x77: {  	v3 =	vadd.s32 v1, v3;
	s0 =	rddreg [dreg:$0x1f]  }
0x78: {  	[tilespmem:s0], [sflag:$0x1] =	stream.indirect_vreg.gather [hbm4b:s7+s2], $0x80, v4, vm0, $0xb8;
	[tilespmem:$0x18080] =	vst v63  }
0x79: {  	s12 =	simm.s32 $0xE880  }
0x7a: {  	[tilespmem:s12], [sflag:$0x1] =	stream.indirect_vreg.gather [hbm4b:s8+s2], $0x80, v4, vm0, $0xb8;
	[tilespmem:$0x18080] =	vst v63  }
0x7b: {  	_ = 	snop  }
0x7c: {  	[tilespmem:s13], [sflag:$0x1] =	stream.indirect_vreg.gather [hbm4b:s3+s2], $0x80, v3, vm0, $0xb8;
	[tilespmem:$0x18080] =	vst v63  }
0x7d: {  	_ = 	snop  }
0x7e: {  	[tilespmem:s14], [sflag:$0x1] =	stream.indirect_vreg.gather [hbm4b:s4+s2], $0x80, v3, vm0, $0xb8;
	[tilespmem:$0x18080] =	vst v63  }
0x7f: {  	_ = 	snop  }
0x80: {  	[tilespmem:s15], [sflag:$0x1] =	stream.indirect_vreg.gather [hbm4b:s5+s2], $0x80, v3, vm0, $0xb8;
	[tilespmem:$0x18080] =	vst v63  }
0x81: {  	_ = 	snop  }
0x82: {  	[tilespmem:s16], [sflag:$0x1] =	stream.indirect_vreg.gather [hbm4b:s6+s2], $0x80, v3, vm0, $0xb8;
	[tilespmem:$0x18080] =	vst v63  }
0x83: {  	_ = 	snop  }
0x84: {  	[tilespmem:s17], [sflag:$0x1] =	stream.indirect_vreg.gather [hbm4b:s7+s2], $0x80, v3, vm0, $0xb8;
	[tilespmem:$0x18080] =	vst v63  }
0x85: {  	_ = 	snop  }
0x86: {  	[tilespmem:s18], [sflag:$0x1] =	stream.indirect_vreg.gather [hbm4b:s8+s2], $0x80, v3, vm0, $0xb8;
	[tilespmem:$0x18080] =	vst v63  }
0x87: {  	v3 =	vld [tilespmem:$0x30];
	_ =	sdelay $0x4  }
0x88: {  	v63 =	vshrl.u32 v3, $0x3  }
0x89: {  	v4 =	vmul.u32 $0x60, v63  }
0x8a: {  	v3 =	vand.u32 $0x7, v3  }
0x8b: {  	v3 =	vor.u32 v3, v4  }
0x8c: {  	v4 =	vperm.xlane v3, v0;
	_ =	sdelay $0x1  }
0x8d: {  	v4 =	vadd.s32 v1, v4;
	_ =	sdelay $0x4  }
0x8e: {  	[tilespmem:s19], [sflag:$0x1] =	stream.indirect_vreg.gather [hbm4b:s3+s2], $0x80, v4, vm0, $0xb8;
	[tilespmem:$0x18080] =	vst v63  }
0x8f: {  	_ = 	snop  }
0x90: {  	[tilespmem:s20], [sflag:$0x1] =	stream.indirect_vreg.gather [hbm4b:s4+s2], $0x80, v4, vm0, $0xb8;
	[tilespmem:$0x18080] =	vst v63  }
0x91: {  	_ = 	snop  }
0x92: {  	[tilespmem:s21], [sflag:$0x1] =	stream.indirect_vreg.gather [hbm4b:s5+s2], $0x80, v4, vm0, $0xb8;
	[tilespmem:$0x18080] =	vst v63  }
0x93: {  	v3 =	vperm.xlane v3, v2  }
0x94: {  	[tilespmem:s22], [sflag:$0x1] =	stream.indirect_vreg.gather [hbm4b:s6+s2], $0x80, v4, vm0, $0xb8;
	[tilespmem:$0x18080] =	vst v63  }
0x95: {  	v3 =	vadd.s32 v1, v3  }
0x96: {  	[tilespmem:s23], [sflag:$0x1] =	stream.indirect_vreg.gather [hbm4b:s7+s2], $0x80, v4, vm0, $0xb8;
	[tilespmem:$0x18080] =	vst v63  }
0x97: {  	_ = 	snop  }
0x98: {  	[tilespmem:s24], [sflag:$0x1] =	stream.indirect_vreg.gather [hbm4b:s8+s2], $0x80, v4, vm0, $0xb8;
	[tilespmem:$0x18080] =	vst v63  }
0x99: {  	_ = 	snop  }
0x9a: {  	[tilespmem:s25], [sflag:$0x1] =	stream.indirect_vreg.gather [hbm4b:s3+s2], $0x80, v3, vm0, $0xb8;
	[tilespmem:$0x18080] =	vst v63  }
0x9b: {  	_ = 	snop  }
0x9c: {  	[tilespmem:s26], [sflag:$0x1] =	stream.indirect_vreg.gather [hbm4b:s4+s2], $0x80, v3, vm0, $0xb8;
	[tilespmem:$0x18080] =	vst v63  }
0x9d: {  	_ = 	snop  }
0x9e: {  	[tilespmem:s28], [sflag:$0x1] =	stream.indirect_vreg.gather [hbm4b:s5+s2], $0x80, v3, vm0, $0xb8;
	[tilespmem:$0x18080] =	vst v63  }
0x9f: {  	_ = 	snop  }
0xa0: {  	[tilespmem:s29], [sflag:$0x1] =	stream.indirect_vreg.gather [hbm4b:s6+s2], $0x80, v3, vm0, $0xb8;
	[tilespmem:$0x18080] =	vst v63  }
0xa1: {  	_ = 	snop  }
0xa2: {  	[tilespmem:s30], [sflag:$0x1] =	stream.indirect_vreg.gather [hbm4b:s7+s2], $0x80, v3, vm0, $0xb8;
	[tilespmem:$0x18080] =	vst v63  }
0xa3: {  	_ = 	snop  }
0xa4: {  	[tilespmem:s31], [sflag:$0x1] =	stream.indirect_vreg.gather [hbm4b:s8+s2], $0x80, v3, vm0, $0xb8;
	[tilespmem:$0x18080] =	vst v63  }
0xa5: {  	_ =	swait.ge [sflag:s1], $0x18000  }
0xa6: {  	p0 =	sne.s32 s9, $0x1;
	[sflag:s1] =	ssyncset.done $0x0  }
.Ltmp0:
0xa7: {  	s12 =	rddreg [dreg:$0x3];
	[sflag:s1] =	ssyncadd.s32 $0xFFFE8000;
	(pc) =	sbr.rel @p0 .LBB2_1-.Ltmp0, $4  }
0xa8: {  	[hbm4b:s12+s2] =	stream.linear.scatter [tilespmem:s11], [sflag:$0x2], $0x18000, $0x38;
	[tilespmem:$0x18080] =	vst v63  }
0xa9: {  	_ =	swait.ge [sflag:s10], $0x18000  }
0xaa: {  	[sflag:s10] =	ssyncset.done $0x0  }
0xab: {  	s9 =	sadd.s32 $0xFFFFFFFF, s9;
	[sflag:s10] =	ssyncadd.s32 $0xFFFE8000  }
0xac: {  	_ =	sfence.sel $0x180000  }
0xad: {  	[bflag:$0x0] =	sbarrier.arrive $0xFFFF  }
0xae: {  	_ =	strace $0x9000004A  }
0xaf: {  	s0 =	stileid.u32;
	[bflag:$0x2] =	sbarrier.arrive $0xFFFF  }
0xb0: {  	p0 =	sne.s32 s0, $0x0;
	s0 =	rddreg [dreg:$0x1]  }
0xb1: {  	s0 =	sadd.s32 @!p0 $0x100000, s0  }
0xb2: {  	[sflag:s0] =	ssyncadd.tile.s32 @!p0 $0x1;
	_ =	shalt  }
.Lfunc_end2:
_tile_overlayer_lowered:
.L_overlay_start_2:
0xb3: {  	(tag) =	ssettag $0x2  }
0xb4: {  	s0 =	rddreg [dreg:$0x0];
	s2 =	stileid.u32  }
0xb5: {  	s1 =	rddreg [dreg:$0x1];
	p0 =	sne.s32 s2, $0x0  }
0xb6: {  	s3 =	rddreg [dreg:$0x2];
	[bflag:$0x3] =	sbarrier.arrive $0xFFFF;
	s2 =	simm.s32 @!p0 $0x1C02  }
0xb7: {  	[timem:s3], [sflag:s2] =	dma.local @!p0 [hbm:s0], s1  }
0xb8: {  	s0 =	simm.s32 @!p0 $0x2  }
0xb9: {  	_ =	swait.ge @!p0 [sflag:s0], s1  }
0xba: {  	s1 =	ssub.s32 @!p0 $0x0, s1;
	[sflag:s0] =	ssyncset.done @!p0 $0x0  }
0xbb: {  	[sflag:s0] =	ssyncadd.s32 @!p0 s1  }
0xbc: {  	[bflag:$0x3] =	sbarrier.arrive $0xFFFF  }
0xbd: {  	_ =	shalt  }

// kernel: kernel.18.cloned.1.call-start
scs
__scs_entry_jumppad:
0x0: {  	(pc) =	sbr.rel $0x88, $3  }
0x1: {  	(tag) =	ssettag $0x0;
	lr =	simm.s32 $0x1  }
0x2: {  	[smem:$0x3F9A] =	sst lr;
	_ =	strace $0xD0000000  }
0x3: {  	_ = 	snop  }
0x4: {  	_ = 	snop  }
0x5: {  	_ = 	snop  }
0x6: {  	_ = 	snop  }
0x7: {  	_ = 	snop  }
__scs_overlays_trampoline_lowered:
0x8: {  	[smem:$0x3FA9] =	sst s0  }
0x9: {  	[smem:$0x3FAA] =	sst s1  }
0xa: {  	[smem:$0x3FAB] =	sst s2  }
0xb: {  	[smem:$0x3FAC] =	sst s3  }
0xc: {  	[smem:$0x3FAD] =	sst s4  }
0xd: {  	[smem:$0x3FAE] =	sst s5  }
0xe: {  	[smem:$0x3FAF] =	sst s6  }
0xf: {  	[smem:$0x3FB0] =	sst s7  }
0x10: {  	[smem:$0x3FB1] =	sst s8  }
0x11: {  	[smem:$0x3FB2] =	sst s9;
	s0 =	simm.s32 @!p0 $0x0  }
0x12: {  	s1 =	sld [smem:$0x3F98];
	s0 =	simm.s32 @p0 $0x1  }
0x13: {  	[smem:$0x3FB3] =	sst s0;
	s0 =	simm.s32 @!p1 $0x0  }
0x14: {  	s2 =	sld [smem:$0x3F97];
	s0 =	simm.s32 @p1 $0x1  }
0x15: {  	[smem:$0x3FB4] =	sst s0;
	s0 =	simm.s32 @!p2 $0x0  }
0x16: {  	s3 =	sld [smem:$0x3FDB];
	s0 =	simm.s32 @p2 $0x1  }
0x17: {  	s4 =	simm.s32 $0x1BF5;
	[smem:$0x3FB6] =	sst s0  }
0x18: {  	s0 =	sld [smem:$0x3F99];
	_ =	swait.ge [sflag:s4], $0x0  }
0x19: {  	s7 =	sld [smem:$0x3F9A]  }
0x1a: {  	s8 =	sadd.s32 $0xFFFFE003, lr  }
0x1b: {  	s9 =	sadd.s32 $0xFFFFFEF7, lr;
	s5 =	simm.s32 $0xFFFFFFFF;
	p2 =	slt.u32 s8, $0xFFFFF086  }
0x1c: {  	p1 =	slt.u32 s9, $0xF7A;
	s5 =	simm.s32 @!p2 $0x0  }
0x1d: {  	s5 =	simm.s32 @p1 $0x1;
	p0 =	seq.s32 s7, s2  }
0x1e: {  	s7 =	smul.u32 @!p0 $0xF7A, s2;
	p2 =	seq.s32 @!p0 s5, $0x0  }
0x1f: {  	s9 =	smul.u32 $0xF7A, s1;
	s8 =	simm.s32 @!p0 $0x1BF5;
	p2 =	por !p2, p0  }
0x20: {  	[sflag:s8] =	ssyncset.s32 @!p0 $0xFFFFF086;
	s6 =	sadd.s32 @!p0 s3, s7;
	s7 =	simm.s32 @!p0 $0x108  }
0x21: {  	s3 =	sadd.s32 s3, s9;
	s6 =	sadd.s32 @!p0 $0x88, s6;
	s7 =	simm.s32 @p2 $0x1082  }
0x22: {  	[simem:s7], [sflag:s8] =	dma.local @!p0 [hbm:s6], $0xF7A  }
0x23: {  	s9 =	sor.u32 $0xD0000000, s2;
	s6 =	simm.s32 $0x108;
	_ =	swait.ge @!p0 [sflag:s8], $0x0  }
0x24: {  	s3 =	sadd.s32 $0x88, s3;
	s6 =	simm.s32 @!p1 $0x1082;
	[sflag:s4] =	ssyncset.s32 $0xFFFFF086  }
0x25: {  	[simem:s6], [sflag:s4] =	dma.local [hbm:s3], $0xF7A  }
0x26: {  	[smem:$0x3F9A] =	sst s1;
	(tag) =	ssettag s2;
	_ =	strace s9  }
0x27: {  	s1 =	sld [smem:$0x3FAA]  }
0x28: {  	s2 =	sld [smem:$0x3FAB]  }
0x29: {  	s4 =	sld [smem:$0x3FAD]  }
0x2a: {  	p0 =	seq.s32 s5, $0x0;
	s5 =	sld [smem:$0x3FAE]  }
0x2b: {  	s6 =	sld [smem:$0x3FAF]  }
0x2c: {  	s7 =	sld [smem:$0x3FB0]  }
0x2d: {  	s3 =	simm.s32 $0x108;
	s8 =	sld [smem:$0x3FB1]  }
0x2e: {  	s3 =	simm.s32 @!p0 $0x1082;
	s9 =	sld [smem:$0x3FB2]  }
0x2f: {  	lr =	sadd.s32 s0, s3;
	s0 =	sld [smem:$0x3FA9]  }
0x30: {  	s3 =	sld [smem:$0x3FAC]  }
0x31: {  	[smem:$0x3FB5] =	sst s10  }
0x32: {  	s10 =	sld [smem:$0x3FB3];
	_ =	sdelay $0x3  }
0x33: {  	p0 =	seq.s32 s10, $0x1;
	s10 =	sld [smem:$0x3FB5];
	_ =	sdelay $0x3  }
0x34: {  	[smem:$0x3FB5] =	sst s10  }
0x35: {  	s10 =	sld [smem:$0x3FB4];
	_ =	sdelay $0x3  }
0x36: {  	p1 =	seq.s32 s10, $0x1;
	s10 =	sld [smem:$0x3FB5];
	_ =	sdelay $0x3  }
0x37: {  	[smem:$0x3FB5] =	sst s10  }
0x38: {  	s10 =	sld [smem:$0x3FB6]  }
0x39: {  	_ = 	snop;
	(pc) =	sbr.ind lr, $3  }
0x3a: {  	_ = 	snop  }
0x3b: {  	_ = 	snop  }
0x3c: {  	p2 =	seq.s32 s10, $0x1;
	s10 =	sld [smem:$0x3FB5]  }
0x3d: {  	_ =	shalt  }
0x3e: {  	_ =	shalt  }
0x3f: {  	_ =	shalt  }
0x40: {  	_ =	shalt  }
0x41: {  	_ =	shalt  }
0x42: {  	_ =	shalt  }
0x43: {  	_ =	shalt  }
0x44: {  	_ =	shalt  }
0x45: {  	_ =	shalt  }
0x46: {  	_ =	shalt  }
0x47: {  	_ =	shalt  }
0x48: {  	_ =	shalt  }
0x49: {  	_ =	shalt  }
0x4a: {  	_ =	shalt  }
0x4b: {  	_ =	shalt  }
0x4c: {  	_ =	shalt  }
0x4d: {  	_ =	shalt  }
0x4e: {  	_ =	shalt  }
0x4f: {  	_ =	shalt  }
0x50: {  	_ =	shalt  }
0x51: {  	_ =	shalt  }
0x52: {  	_ =	shalt  }
0x53: {  	_ =	shalt  }
0x54: {  	_ =	shalt  }
0x55: {  	_ =	shalt  }
0x56: {  	_ =	shalt  }
0x57: {  	_ =	shalt  }
0x58: {  	_ =	shalt  }
0x59: {  	_ =	shalt  }
0x5a: {  	_ =	shalt  }
0x5b: {  	_ =	shalt  }
0x5c: {  	_ =	shalt  }
0x5d: {  	_ =	shalt  }
0x5e: {  	_ =	shalt  }
0x5f: {  	_ =	shalt  }
0x60: {  	_ =	shalt  }
0x61: {  	_ =	shalt  }
0x62: {  	_ =	shalt  }
0x63: {  	_ =	shalt  }
0x64: {  	_ =	shalt  }
0x65: {  	_ =	shalt  }
0x66: {  	_ =	shalt  }
0x67: {  	_ =	shalt  }
0x68: {  	_ =	shalt  }
0x69: {  	_ =	shalt  }
0x6a: {  	_ =	shalt  }
0x6b: {  	_ =	shalt  }
0x6c: {  	_ =	shalt  }
0x6d: {  	_ =	shalt  }
0x6e: {  	_ =	shalt  }
0x6f: {  	_ =	shalt  }
0x70: {  	_ =	shalt  }
0x71: {  	_ =	shalt  }
0x72: {  	_ =	shalt  }
0x73: {  	_ =	shalt  }
0x74: {  	_ =	shalt  }
0x75: {  	_ =	shalt  }
0x76: {  	_ =	shalt  }
0x77: {  	_ =	shalt  }
0x78: {  	_ =	shalt  }
0x79: {  	_ =	shalt  }
0x7a: {  	_ =	shalt  }
0x7b: {  	_ =	shalt  }
0x7c: {  	_ =	shalt  }
0x7d: {  	_ =	shalt  }
0x7e: {  	_ =	shalt  }
0x7f: {  	_ =	shalt  }
0x80: {  	_ =	shalt  }
0x81: {  	_ =	shalt  }
0x82: {  	_ =	shalt  }
0x83: {  	_ =	shalt  }
0x84: {  	_ =	shalt  }
0x85: {  	_ =	shalt  }
0x86: {  	_ =	shalt  }
0x87: {  	_ =	shalt  }
.Lfunc_end0:
.L_simem_size_0:
called_computation.2_lowered:
.L_overlay_start_0:
0x88: {  	s2 =	sld [smem:$0x3FD9]  }
0x89: {  	s3 =	sld [smem:$0x3FFE];
	_ =	sdelay $0x1  }
0x8a: {  	s1 =	srdreg.scid  }
0x8b: {  	s0 =	sand.u32 $0x1, s1  }
0x8c: {  	s17 =	sshll.u32 s0, $0xA;
	s2 =	sadd.s32 s3, s2  }
0x8d: {  	s2 =	sadd.s32 s2, s17  }
0x8e: {  	[smem:$0x3FC1] =	sst s2  }
0x8f: {  	_ = 	snop  }
0x90: {  	s2 =	sld [smem:$0x3FD0];
	(tm) =	ssettm $0x1  }
0x91: {  	s18 =	sld [smem:$0x3FFB];
	_ =	sdelay $0x3  }
0x92: {  	_ =	strace s18  }
0x93: {  	s3 =	sld [smem:$0x3FFC];
	_ =	sdelay $0x3  }
0x94: {  	_ =	strace s3  }
0x95: {  	s3 =	sld [smem:$0x3FFD];
	_ =	sdelay $0x3  }
0x96: {  	_ =	strace s3  }
0x97: {  	_ =	strace $0x8FFFFFFF  }
0x98: {  	s19 =	sld [smem:$0x3FDB];
	_ =	sdelay $0x1  }
0x99: {  	s4 =	simm.s32 $_scs_section_size  }
0x9a: {  	s5 =	simm.s32 $_size__tile_overlayer_lowered;
	s6 =	simm.s32 $_tile_overlayer_lowered  }
0x9b: {  	s22 =	simm.s32 $0x1BFF;
	s21 =	sshll.u32 s6, $0x1;
	s3 =	sadd.s32 s4, s19  }
0x9c: {  	s7 =	simm.s32 $0x0;
	s20 =	sshll.u32 s5, $0x1;
	s5 =	sadd.s32 s21, s3  }
0x9d: {  	[timem:s7], [sflag:s22] =	dma.local [hbm:s5], s20  }
0x9e: {  	_ =	swait.ge [sflag:s22], s20  }
0x9f: {  	s4 =	ssub.s32 $0x0, s20;
	[sflag:s22] =	ssyncset.done $0x0  }
0xa0: {  	[sflag:s22] =	ssyncadd.s32 s4;
	_ =	sdelay $0x1  }
0xa1: {  	s23 =	simm.s32 $0x1B8B  }
0xa2: {  	_ =	swait.ge [sflag:s23], $0x1  }
0xa3: {  	[sflag:s23] =	ssyncset.done $0x0  }
0xa4: {  	s25 =	simm.s32 $0x1B8E;
	s24 =	sld [smem:$0x3FFE];
	[sflag:s23] =	ssyncadd.s32 $0xFFFFFFFF  }
0xa5: {  	s26 =	simm.s32 $execute0_lowered;
	[smem:$0x3FD2] =	sst s25  }
0xa6: {  	s5 =	sshll.u32 s26, $0x1;
	_ =	strace $0x8000004C;
	[dreg:$0x1] =	wrdreg $0xFFFFFFFF  }
0xa7: {  	s28 =	simm.s32 $_size_execute0_lowered;
	s3 =	sadd.s32 s3, s5;
	[dreg:$0x0] =	wrdreg $0x0  }
0xa8: {  	s5 =	sshll.u32 s28, $0x1;
	[dreg:$0x2] =	wrdreg s3  }
0xa9: {  	[dreg:$0x3] =	wrdreg s5  }
0xaa: {  	[dreg:$0x4] =	wrdreg $0xC0  }
0xab: {  	_ =	task [dreg:s7], $0x5FFFF  }
0xac: {  	[dreg:$0x1] =	wrdreg $0xFFFFFFFF  }
0xad: {  	[dreg:$0x0] =	wrdreg $0x60  }
0xae: {  	[dreg:$0x2] =	wrdreg s24  }
0xaf: {  	[dreg:$0x3] =	wrdreg s2  }
0xb0: {  	[dreg:$0x4] =	wrdreg $0x9  }
0xb1: {  	_ =	task.clear_ibuf [dreg:s7], $0x5FFFF;
	_ =	strace $0x9000004C  }
0xb2: {  	s29 =	simm.s32 $0x9;
	_ =	strace $0x8000004E  }
0xb3: {  	_ =	swait.ge [sflag:s29], $0x1  }
0xb4: {  	[sflag:s29] =	ssyncadd.s32 $0xFFFFFFFF  }
0xb5: {  	_ =	strace $0x9000004E  }
0xb6: {  	_ =	sfence  }
0xb7: {  	s30 =	sld [smem:$0x0];
	_ =	sdelay $0x2  }
0xb8: {  	s31 =	sshll.u32 s1, $0xD;
	s1 =	sshrl.u32 s1, $0x2  }
0xb9: {  	s3 =	sand.u32 $0x4000, s31;
	s1 =	sadd.s32 s1, s30  }
0xba: {  	s0 =	sor.u32 s3, s0;
	s1 =	sshll.u32 s1, $0x11  }
0xbb: {  	s0 =	sor.u32 s1, s0  }
0xbc: {  	s0 =	sadd.s32 $0x8F2B, s0  }
0xbd: {  	[sflag:s0] =	ssyncadd.remote.s32 $0x1  }
0xbe: {  	_ =	sfence.sel $0xFFFF  }
0xbf: {  	[dreg:$0x0] =	wrdreg $0xFFFFFFFF;
	(pc) =	sbr.abs _section_cstart, $3  }
0xc0: {  	[dreg:$0x1] =	wrdreg $0xFFFFFFFF  }
0xc1: {  	_ =	task.clear_ibuf [dreg:s7], $0x2FFFF;
	_ =	strace $0x9FFFFFFF  }
0xc2: {  	(tm) =	ssettm $0x7FFFFFFF  }
0xc3: {  	_ =	shalt  }
tec
execute0_lowered:
.L_overlay_start_1:
0x0: {  	(tag) =	ssettag $0x1  }
0x1: {  	s2 =	srdreg.scid;
	s1 =	rddreg [dreg:$0x0]  }
0x2: {  	s3 =	rddreg [dreg:$0x1];
	s4 =	sand.u32 $0x1, s2;
	s2 =	simm.s32 $0x0  }
0x3: {  	s24 =	simm.s32 $0x880;
	[smem:$0x7FF] =	sst s2  }
0x4: {  	s25 =	simm.s32 $0x1080;
	_ =	strace $0x8000004D;
	[dreg:$0x5] =	wrdreg s24  }
0x5: {  	s0 =	stileid.u32;
	s26 =	simm.s32 $0x1880;
	[dreg:$0x6] =	wrdreg s25  }
0x6: {  	s5 =	sshll.u32 s0, $0x4;
	s0 =	simm.s32 $0x2080;
	[dreg:$0x7] =	wrdreg s26  }
0x7: {  	s7 =	simm.s32 $0x3880;
	[dreg:$0x8] =	wrdreg s0  }
0x8: {  	s8 =	simm.s32 $0x4080;
	[dreg:$0xb] =	wrdreg s7  }
0x9: {  	s9 =	simm.s32 $0x4880;
	[dreg:$0xc] =	wrdreg s8  }
0xa: {  	s10 =	simm.s32 $0x5080;
	[dreg:$0xd] =	wrdreg s9  }
0xb: {  	s11 =	simm.s32 $0x5880;
	[dreg:$0xe] =	wrdreg s10  }
0xc: {  	s12 =	simm.s32 $0x6080;
	[dreg:$0xf] =	wrdreg s11  }
0xd: {  	s13 =	simm.s32 $0x6880;
	[dreg:$0x10] =	wrdreg s12  }
0xe: {  	s14 =	simm.s32 $0x7080;
	[dreg:$0x11] =	wrdreg s13  }
0xf: {  	s15 =	simm.s32 $0x7880;
	[dreg:$0x12] =	wrdreg s14  }
0x10: {  	s16 =	simm.s32 $0x8080;
	s17 =	simm.s32 $0x8880;
	[dreg:$0x13] =	wrdreg s15  }
0x11: {  	s18 =	simm.s32 $0x9080;
	s20 =	simm.s32 $0x9880;
	[dreg:$0x14] =	wrdreg s16  }
0x12: {  	s21 =	simm.s32 $0xA080;
	s22 =	simm.s32 $0xA880;
	[dreg:$0x15] =	wrdreg s17  }
0x13: {  	s28 =	simm.s32 $0x16080;
	s29 =	simm.s32 $0x16880;
	[dreg:$0x16] =	wrdreg s18  }
0x14: {  	s30 =	simm.s32 $0x17080;
	s31 =	simm.s32 $0x17880;
	[dreg:$0x17] =	wrdreg s20  }
0x15: {  	s6 =	sshll.u32 s4, $0x3;
	s4 =	ssub.s32 $0x2, s4;
	[dreg:$0x18] =	wrdreg s21  }
0x16: {  	s5 =	sor.u32 s6, s5;
	s19 =	sshrl.u32 s4, $0x1;
	[dreg:$0x19] =	wrdreg s22  }
0x17: {  	s7 =	simm.s32 $0xB080;
	s8 =	simm.s32 $0xB880;
	s10 =	simm.s32 $0xC080  }
0x18: {  	s24 =	simm.s32 $0xD080;
	s25 =	simm.s32 $0xD880;
	s11 =	simm.s32 $0x80  }
0x19: {  	s26 =	simm.s32 $0xE080;
	s13 =	simm.s32 $0xF080;
	s14 =	simm.s32 $0xF880  }
0x1a: {  	s15 =	simm.s32 $0x10080;
	s16 =	simm.s32 $0x10880;
	s17 =	simm.s32 $0x11080  }
0x1b: {  	s18 =	simm.s32 $0x11880;
	s20 =	simm.s32 $0x12880;
	[dreg:$0x1a] =	wrdreg s7  }
0x1c: {  	s21 =	simm.s32 $0x13080;
	s22 =	simm.s32 $0x13880;
	[dreg:$0x1b] =	wrdreg s8  }
0x1d: {  	s6 =	smul.u32 $0x600, s5;
	s3 =	sadd.s32 s3, s5;
	[dreg:$0x1c] =	wrdreg s10  }
0x1e: {  	s5 =	simm.s32 $0x2880;
	s9 =	ssub.s32 s4, s19;
	[dreg:$0x1e] =	wrdreg s24  }
0x1f: {  	s4 =	sadd.s32 $0x68100, s1;
	s7 =	sadd.s32 $0x68400, s1;
	[dreg:$0x1f] =	wrdreg s25  }
0x20: {  	s8 =	sadd.s32 $0x68500, s1;
	s10 =	simm.s32 $0x2;
	[smem:$0x7FD] =	sst s26  }
0x21: {  	s19 =	simm.s32 $0x12080;
	s24 =	simm.s32 $0x14880;
	[dreg:$0x3] =	wrdreg s3  }
0x22: {  	s25 =	simm.s32 $0x15080;
	s26 =	simm.s32 $0x15880;
	[dreg:$0x9] =	wrdreg s5  }
0x23: {  	s3 =	sadd.s32 $0x68000, s1;
	s5 =	sadd.s32 $0x68200, s1;
	s23 =	sadd.s32 s1, s6  }
0x24: {  	v2 =	vlaneseq.u32;
	s9 =	smax.u32 s9, $0x1;
	s6 =	simm.s32 $0x3080;
	[dreg:$0x4] =	wrdreg s23  }
0x25: {  	vm0 =	vmmov $0xffff;
	v1 =	vshrl.u32 v2, $0x3;
	[dreg:$0xa] =	wrdreg s6;
	s6 =	sadd.s32 $0x68300, s1;
	s23 =	simm.s32 $0xC880  }
0x26: {  	v0 =	vand.u32 $0x7, v2;
	v2 =	vor.u32 $0x8, v2;
	v1 =	vmul.u32 $0x8, v1;
	s1 =	simm.s32 $0x1;
	[dreg:$0x1d] =	wrdreg s23;
	s23 =	simm.s32 $0x14080  }
.LBB2_1:
0x27: {  	s0 =	rddreg [dreg:$0x3]  }
0x28: {  	[tilespmem:s2], [sflag:$0x2] =	stream.linear.gather [hbm4b:s0+s2], $0x40, $0x38;
	[tilespmem:$0x18080] =	vst v63  }
0x29: {  	_ =	swait.ge [sflag:s10], $0x40  }
0x2a: {  	[sflag:s10] =	ssyncset.done $0x0  }
0x2b: {  	s12 =	rddreg [dreg:$0x4];
	[sflag:s10] =	ssyncadd.s32 $0xFFFFFFC0  }
0x2c: {  	[tilespmem:s11], [sflag:$0x2] =	stream.linear.gather [hbm4b:s12+s2], $0x18000, $0x38;
	[tilespmem:$0x18080] =	vst v63  }
0x2d: {  	_ =	swait.ge [sflag:s10], $0x18000  }
0x2e: {  	[sflag:s10] =	ssyncset.done $0x0  }
0x2f: {  	[sflag:s10] =	ssyncadd.s32 $0xFFFE8000  }
0x30: {  	v3 =	vld [tilespmem:$0x0];
	_ =	sdelay $0x4  }
0x31: {  	v4 =	vshrl.u32 v3, $0x3  }
0x32: {  	v4 =	vmul.u32 $0x60, v4  }
0x33: {  	v3 =	vand.u32 $0x7, v3  }
0x34: {  	v3 =	vor.u32 v3, v4  }
0x35: {  	v4 =	vperm.xlane v3, v0;
	_ =	sdelay $0x1  }
0x36: {  	v4 =	vadd.s32 v1, v4;
	_ =	sdelay $0x4  }
0x37: {  	[hbm4b:s3+s2] =	stream.indirect_vreg.scatter [tilespmem:s11], [sflag:$0x1], $0x80, v4, vm0, $0xb8;
	[tilespmem:$0x18080] =	vst v63  }
0x38: {  	s0 =	rddreg [dreg:$0x5]  }
0x39: {  	[hbm4b:s4+s2] =	stream.indirect_vreg.scatter [tilespmem:s0], [sflag:$0x1], $0x80, v4, vm0, $0xb8;
	[tilespmem:$0x18080] =	vst v63  }
0x3a: {  	s12 =	rddreg [dreg:$0x6]  }
0x3b: {  	[hbm4b:s5+s2] =	stream.indirect_vreg.scatter [tilespmem:s12], [sflag:$0x1], $0x80, v4, vm0, $0xb8;
	[tilespmem:$0x18080] =	vst v63  }
0x3c: {  	v3 =	vperm.xlane v3, v2;
	s0 =	rddreg [dreg:$0x7]  }
0x3d: {  	[hbm4b:s6+s2] =	stream.indirect_vreg.scatter [tilespmem:s0], [sflag:$0x1], $0x80, v4, vm0, $0xb8;
	[tilespmem:$0x18080] =	vst v63  }
0x3e: {  	v3 =	vadd.s32 v1, v3;
	s12 =	rddreg [dreg:$0x8]  }
0x3f: {  	[hbm4b:s7+s2] =	stream.indirect_vreg.scatter [tilespmem:s12], [sflag:$0x1], $0x80, v4, vm0, $0xb8;
	[tilespmem:$0x18080] =	vst v63  }
0x40: {  	s0 =	rddreg [dreg:$0x9]  }
0x41: {  	[hbm4b:s8+s2] =	stream.indirect_vreg.scatter [tilespmem:s0], [sflag:$0x1], $0x80, v4, vm0, $0xb8;
	[tilespmem:$0x18080] =	vst v63  }
0x42: {  	s12 =	rddreg [dreg:$0xa]  }
0x43: {  	[hbm4b:s3+s2] =	stream.indirect_vreg.scatter [tilespmem:s12], [sflag:$0x1], $0x80, v3, vm0, $0xb8;
	[tilespmem:$0x18080] =	vst v63  }
0x44: {  	s0 =	rddreg [dreg:$0xb]  }
0x45: {  	[hbm4b:s4+s2] =	stream.indirect_vreg.scatter [tilespmem:s0], [sflag:$0x1], $0x80, v3, vm0, $0xb8;
	[tilespmem:$0x18080] =	vst v63  }
0x46: {  	s12 =	rddreg [dreg:$0xc]  }
0x47: {  	[hbm4b:s5+s2] =	stream.indirect_vreg.scatter [tilespmem:s12], [sflag:$0x1], $0x80, v3, vm0, $0xb8;
	[tilespmem:$0x18080] =	vst v63  }
0x48: {  	s0 =	rddreg [dreg:$0xd]  }
0x49: {  	[hbm4b:s6+s2] =	stream.indirect_vreg.scatter [tilespmem:s0], [sflag:$0x1], $0x80, v3, vm0, $0xb8;
	[tilespmem:$0x18080] =	vst v63  }
0x4a: {  	s12 =	rddreg [dreg:$0xe]  }
0x4b: {  	[hbm4b:s7+s2] =	stream.indirect_vreg.scatter [tilespmem:s12], [sflag:$0x1], $0x80, v3, vm0, $0xb8;
	[tilespmem:$0x18080] =	vst v63  }
0x4c: {  	s0 =	rddreg [dreg:$0xf]  }
0x4d: {  	[hbm4b:s8+s2] =	stream.indirect_vreg.scatter [tilespmem:s0], [sflag:$0x1], $0x80, v3, vm0, $0xb8;
	[tilespmem:$0x18080] =	vst v63  }
0x4e: {  	v3 =	vld [tilespmem:$0x10];
	_ =	sdelay $0x4  }
0x4f: {  	v61 =	vshrl.u32 v3, $0x3  }
0x50: {  	v4 =	vmul.u32 $0x60, v61  }
0x51: {  	v3 =	vand.u32 $0x7, v3  }
0x52: {  	v3 =	vor.u32 v3, v4  }
0x53: {  	v4 =	vperm.xlane v3, v0;
	_ =	sdelay $0x1  }
0x54: {  	v4 =	vadd.s32 v1, v4;
	_ =	sdelay $0x3  }
0x55: {  	s0 =	rddreg [dreg:$0x10]  }
0x56: {  	[hbm4b:s3+s2] =	stream.indirect_vreg.scatter [tilespmem:s0], [sflag:$0x1], $0x80, v4, vm0, $0xb8;
	[tilespmem:$0x18080] =	vst v63  }
0x57: {  	s12 =	rddreg [dreg:$0x11]  }
0x58: {  	[hbm4b:s4+s2] =	stream.indirect_vreg.scatter [tilespmem:s12], [sflag:$0x1], $0x80, v4, vm0, $0xb8;
	[tilespmem:$0x18080] =	vst v63  }
0x59: {  	s0 =	rddreg [dreg:$0x12]  }
0x5a: {  	[hbm4b:s5+s2] =	stream.indirect_vreg.scatter [tilespmem:s0], [sflag:$0x1], $0x80, v4, vm0, $0xb8;
	[tilespmem:$0x18080] =	vst v63  }
0x5b: {  	v3 =	vperm.xlane v3, v2;
	s12 =	rddreg [dreg:$0x13]  }
0x5c: {  	[hbm4b:s6+s2] =	stream.indirect_vreg.scatter [tilespmem:s12], [sflag:$0x1], $0x80, v4, vm0, $0xb8;
	[tilespmem:$0x18080] =	vst v63  }
0x5d: {  	v3 =	vadd.s32 v1, v3;
	s0 =	rddreg [dreg:$0x14]  }
0x5e: {  	[hbm4b:s7+s2] =	stream.indirect_vreg.scatter [tilespmem:s0], [sflag:$0x1], $0x80, v4, vm0, $0xb8;
	[tilespmem:$0x18080] =	vst v63  }
0x5f: {  	s12 =	rddreg [dreg:$0x15]  }
0x60: {  	[hbm4b:s8+s2] =	stream.indirect_vreg.scatter [tilespmem:s12], [sflag:$0x1], $0x80, v4, vm0, $0xb8;
	[tilespmem:$0x18080] =	vst v63  }
0x61: {  	s0 =	rddreg [dreg:$0x16]  }
0x62: {  	[hbm4b:s3+s2] =	stream.indirect_vreg.scatter [tilespmem:s0], [sflag:$0x1], $0x80, v3, vm0, $0xb8;
	[tilespmem:$0x18080] =	vst v63  }
0x63: {  	s12 =	rddreg [dreg:$0x17]  }
0x64: {  	[hbm4b:s4+s2] =	stream.indirect_vreg.scatter [tilespmem:s12], [sflag:$0x1], $0x80, v3, vm0, $0xb8;
	[tilespmem:$0x18080] =	vst v63  }
0x65: {  	s0 =	rddreg [dreg:$0x18]  }
0x66: {  	[hbm4b:s5+s2] =	stream.indirect_vreg.scatter [tilespmem:s0], [sflag:$0x1], $0x80, v3, vm0, $0xb8;
	[tilespmem:$0x18080] =	vst v63  }
0x67: {  	s12 =	rddreg [dreg:$0x19]  }
0x68: {  	[hbm4b:s6+s2] =	stream.indirect_vreg.scatter [tilespmem:s12], [sflag:$0x1], $0x80, v3, vm0, $0xb8;
	[tilespmem:$0x18080] =	vst v63  }
0x69: {  	s0 =	rddreg [dreg:$0x1a]  }
0x6a: {  	[hbm4b:s7+s2] =	stream.indirect_vreg.scatter [tilespmem:s0], [sflag:$0x1], $0x80, v3, vm0, $0xb8;
	[tilespmem:$0x18080] =	vst v63  }
0x6b: {  	s12 =	rddreg [dreg:$0x1b]  }
0x6c: {  	[hbm4b:s8+s2] =	stream.indirect_vreg.scatter [tilespmem:s12], [sflag:$0x1], $0x80, v3, vm0, $0xb8;
	[tilespmem:$0x18080] =	vst v63  }
0x6d: {  	v3 =	vld [tilespmem:$0x20];
	_ =	sdelay $0x4  }
0x6e: {  	v62 =	vshrl.u32 v3, $0x3  }
0x6f: {  	v4 =	vmul.u32 $0x60, v62  }
0x70: {  	v3 =	vand.u32 $0x7, v3  }
0x71: {  	v3 =	vor.u32 v3, v4  }
0x72: {  	v4 =	vperm.xlane v3, v0;
	_ =	sdelay $0x1  }
0x73: {  	v4 =	vadd.s32 v1, v4;
	_ =	sdelay $0x2  }
0x74: {  	s0 =	rddreg [dreg:$0x1c]  }
0x75: {  	s12 =	rddreg [dreg:$0x1d]  }
0x76: {  	[hbm4b:s3+s2] =	stream.indirect_vreg.scatter [tilespmem:s0], [sflag:$0x1], $0x80, v4, vm0, $0xb8;
	[tilespmem:$0x18080] =	vst v63  }
0x77: {  	s0 =	rddreg [dreg:$0x1e]  }
0x78: {  	[hbm4b:s4+s2] =	stream.indirect_vreg.scatter [tilespmem:s12], [sflag:$0x1], $0x80, v4, vm0, $0xb8;
	[tilespmem:$0x18080] =	vst v63  }
0x79: {  	s12 =	rddreg [dreg:$0x1f]  }
0x7a: {  	[hbm4b:s5+s2] =	stream.indirect_vreg.scatter [tilespmem:s0], [sflag:$0x1], $0x80, v4, vm0, $0xb8;
	[tilespmem:$0x18080] =	vst v63  }
0x7b: {  	v3 =	vperm.xlane v3, v2;
	s0 =	sld [smem:$0x7FD]  }
0x7c: {  	[hbm4b:s6+s2] =	stream.indirect_vreg.scatter [tilespmem:s12], [sflag:$0x1], $0x80, v4, vm0, $0xb8;
	[tilespmem:$0x18080] =	vst v63  }
0x7d: {  	v3 =	vadd.s32 v1, v3  }
0x7e: {  	[hbm4b:s7+s2] =	stream.indirect_vreg.scatter [tilespmem:s0], [sflag:$0x1], $0x80, v4, vm0, $0xb8;
	[tilespmem:$0x18080] =	vst v63  }
0x7f: {  	s12 =	simm.s32 $0xE880  }
0x80: {  	[hbm4b:s8+s2] =	stream.indirect_vreg.scatter [tilespmem:s12], [sflag:$0x1], $0x80, v4, vm0, $0xb8;
	[tilespmem:$0x18080] =	vst v63  }
0x81: {  	_ = 	snop  }
0x82: {  	[hbm4b:s3+s2] =	stream.indirect_vreg.scatter [tilespmem:s13], [sflag:$0x1], $0x80, v3, vm0, $0xb8;
	[tilespmem:$0x18080] =	vst v63  }
0x83: {  	_ = 	snop  }
0x84: {  	[hbm4b:s4+s2] =	stream.indirect_vreg.scatter [tilespmem:s14], [sflag:$0x1], $0x80, v3, vm0, $0xb8;
	[tilespmem:$0x18080] =	vst v63  }
0x85: {  	_ = 	snop  }
0x86: {  	[hbm4b:s5+s2] =	stream.indirect_vreg.scatter [tilespmem:s15], [sflag:$0x1], $0x80, v3, vm0, $0xb8;
	[tilespmem:$0x18080] =	vst v63  }
0x87: {  	_ = 	snop  }
0x88: {  	[hbm4b:s6+s2] =	stream.indirect_vreg.scatter [tilespmem:s16], [sflag:$0x1], $0x80, v3, vm0, $0xb8;
	[tilespmem:$0x18080] =	vst v63  }
0x89: {  	_ = 	snop  }
0x8a: {  	[hbm4b:s7+s2] =	stream.indirect_vreg.scatter [tilespmem:s17], [sflag:$0x1], $0x80, v3, vm0, $0xb8;
	[tilespmem:$0x18080] =	vst v63  }
0x8b: {  	_ = 	snop  }
0x8c: {  	[hbm4b:s8+s2] =	stream.indirect_vreg.scatter [tilespmem:s18], [sflag:$0x1], $0x80, v3, vm0, $0xb8;
	[tilespmem:$0x18080] =	vst v63  }
0x8d: {  	v3 =	vld [tilespmem:$0x30];
	_ =	sdelay $0x4  }
0x8e: {  	v63 =	vshrl.u32 v3, $0x3  }
0x8f: {  	v4 =	vmul.u32 $0x60, v63  }
0x90: {  	v3 =	vand.u32 $0x7, v3  }
0x91: {  	v3 =	vor.u32 v3, v4  }
0x92: {  	v4 =	vperm.xlane v3, v0;
	_ =	sdelay $0x1  }
0x93: {  	v4 =	vadd.s32 v1, v4;
	_ =	sdelay $0x4  }
0x94: {  	[hbm4b:s3+s2] =	stream.indirect_vreg.scatter [tilespmem:s19], [sflag:$0x1], $0x80, v4, vm0, $0xb8;
	[tilespmem:$0x18080] =	vst v63  }
0x95: {  	_ = 	snop  }
0x96: {  	[hbm4b:s4+s2] =	stream.indirect_vreg.scatter [tilespmem:s20], [sflag:$0x1], $0x80, v4, vm0, $0xb8;
	[tilespmem:$0x18080] =	vst v63  }
0x97: {  	_ = 	snop  }
0x98: {  	[hbm4b:s5+s2] =	stream.indirect_vreg.scatter [tilespmem:s21], [sflag:$0x1], $0x80, v4, vm0, $0xb8;
	[tilespmem:$0x18080] =	vst v63  }
0x99: {  	v3 =	vperm.xlane v3, v2  }
0x9a: {  	[hbm4b:s6+s2] =	stream.indirect_vreg.scatter [tilespmem:s22], [sflag:$0x1], $0x80, v4, vm0, $0xb8;
	[tilespmem:$0x18080] =	vst v63  }
0x9b: {  	v3 =	vadd.s32 v1, v3  }
0x9c: {  	[hbm4b:s7+s2] =	stream.indirect_vreg.scatter [tilespmem:s23], [sflag:$0x1], $0x80, v4, vm0, $0xb8;
	[tilespmem:$0x18080] =	vst v63  }
0x9d: {  	_ = 	snop  }
0x9e: {  	[hbm4b:s8+s2] =	stream.indirect_vreg.scatter [tilespmem:s24], [sflag:$0x1], $0x80, v4, vm0, $0xb8;
	[tilespmem:$0x18080] =	vst v63  }
0x9f: {  	_ = 	snop  }
0xa0: {  	[hbm4b:s3+s2] =	stream.indirect_vreg.scatter [tilespmem:s25], [sflag:$0x1], $0x80, v3, vm0, $0xb8;
	[tilespmem:$0x18080] =	vst v63  }
0xa1: {  	_ = 	snop  }
0xa2: {  	[hbm4b:s4+s2] =	stream.indirect_vreg.scatter [tilespmem:s26], [sflag:$0x1], $0x80, v3, vm0, $0xb8;
	[tilespmem:$0x18080] =	vst v63  }
0xa3: {  	_ = 	snop  }
0xa4: {  	[hbm4b:s5+s2] =	stream.indirect_vreg.scatter [tilespmem:s28], [sflag:$0x1], $0x80, v3, vm0, $0xb8;
	[tilespmem:$0x18080] =	vst v63  }
0xa5: {  	_ = 	snop  }
0xa6: {  	[hbm4b:s6+s2] =	stream.indirect_vreg.scatter [tilespmem:s29], [sflag:$0x1], $0x80, v3, vm0, $0xb8;
	[tilespmem:$0x18080] =	vst v63  }
0xa7: {  	p0 =	sne.s32 s9, $0x1  }
0xa8: {  	[hbm4b:s7+s2] =	stream.indirect_vreg.scatter [tilespmem:s30], [sflag:$0x1], $0x80, v3, vm0, $0xb8;
	[tilespmem:$0x18080] =	vst v63  }
.Ltmp0:
0xa9: {  	_ = 	snop;
	(pc) =	sbr.rel @p0 .LBB2_1-.Ltmp0, $4  }
0xaa: {  	[hbm4b:s8+s2] =	stream.indirect_vreg.scatter [tilespmem:s31], [sflag:$0x1], $0x80, v3, vm0, $0xb8;
	[tilespmem:$0x18080] =	vst v63  }
0xab: {  	_ =	swait.ge [sflag:s1], $0x18000  }
0xac: {  	[sflag:s1] =	ssyncset.done $0x0  }
0xad: {  	s9 =	sadd.s32 $0xFFFFFFFF, s9;
	[sflag:s1] =	ssyncadd.s32 $0xFFFE8000  }
0xae: {  	_ =	sfence.sel $0x180000  }
0xaf: {  	[bflag:$0x0] =	sbarrier.arrive $0xFFFF  }
0xb0: {  	_ =	strace $0x9000004D  }
0xb1: {  	s0 =	stileid.u32;
	[bflag:$0x2] =	sbarrier.arrive $0xFFFF  }
0xb2: {  	p0 =	sne.s32 s0, $0x0;
	s0 =	rddreg [dreg:$0x2]  }
0xb3: {  	s0 =	sadd.s32 @!p0 $0x100000, s0  }
0xb4: {  	[sflag:s0] =	ssyncadd.tile.s32 @!p0 $0x1;
	_ =	shalt  }
.Lfunc_end2:
_tile_overlayer_lowered:
.L_overlay_start_2:
0xb5: {  	(tag) =	ssettag $0x2  }
0xb6: {  	s0 =	rddreg [dreg:$0x0];
	s2 =	stileid.u32  }
0xb7: {  	s1 =	rddreg [dreg:$0x1];
	p0 =	sne.s32 s2, $0x0  }
0xb8: {  	s3 =	rddreg [dreg:$0x2];
	[bflag:$0x3] =	sbarrier.arrive $0xFFFF;
	s2 =	simm.s32 @!p0 $0x1C02  }
0xb9: {  	[timem:s3], [sflag:s2] =	dma.local @!p0 [hbm:s0], s1  }
0xba: {  	s0 =	simm.s32 @!p0 $0x2  }
0xbb: {  	_ =	swait.ge @!p0 [sflag:s0], s1  }
0xbc: {  	s1 =	ssub.s32 @!p0 $0x0, s1;
	[sflag:s0] =	ssyncset.done @!p0 $0x0  }
0xbd: {  	[sflag:s0] =	ssyncadd.s32 @!p0 s1  }
0xbe: {  	[bflag:$0x3] =	sbarrier.arrive $0xFFFF  }
0xbf: {  	_ =	shalt  }

// kernel: kernel.21.cloned.1.call-start
scs
__scs_entry_jumppad:
0x0: {  	(pc) =	sbr.rel $0x88, $3  }
0x1: {  	(tag) =	ssettag $0x0;
	lr =	simm.s32 $0x1  }
0x2: {  	[smem:$0x3F9A] =	sst lr;
	_ =	strace $0xD0000000  }
0x3: {  	_ = 	snop  }
0x4: {  	_ = 	snop  }
0x5: {  	_ = 	snop  }
0x6: {  	_ = 	snop  }
0x7: {  	_ = 	snop  }
__scs_overlays_trampoline_lowered:
0x8: {  	[smem:$0x3FA9] =	sst s0  }
0x9: {  	[smem:$0x3FAA] =	sst s1  }
0xa: {  	[smem:$0x3FAB] =	sst s2  }
0xb: {  	[smem:$0x3FAC] =	sst s3  }
0xc: {  	[smem:$0x3FAD] =	sst s4  }
0xd: {  	[smem:$0x3FAE] =	sst s5  }
0xe: {  	[smem:$0x3FAF] =	sst s6  }
0xf: {  	[smem:$0x3FB0] =	sst s7  }
0x10: {  	[smem:$0x3FB1] =	sst s8  }
0x11: {  	[smem:$0x3FB2] =	sst s9;
	s0 =	simm.s32 @!p0 $0x0  }
0x12: {  	s1 =	sld [smem:$0x3F98];
	s0 =	simm.s32 @p0 $0x1  }
0x13: {  	[smem:$0x3FB3] =	sst s0;
	s0 =	simm.s32 @!p1 $0x0  }
0x14: {  	s2 =	sld [smem:$0x3F97];
	s0 =	simm.s32 @p1 $0x1  }
0x15: {  	[smem:$0x3FB4] =	sst s0;
	s0 =	simm.s32 @!p2 $0x0  }
0x16: {  	s3 =	sld [smem:$0x3FDB];
	s0 =	simm.s32 @p2 $0x1  }
0x17: {  	s4 =	simm.s32 $0x1BF5;
	[smem:$0x3FB6] =	sst s0  }
0x18: {  	s0 =	sld [smem:$0x3F99];
	_ =	swait.ge [sflag:s4], $0x0  }
0x19: {  	s7 =	sld [smem:$0x3F9A]  }
0x1a: {  	s8 =	sadd.s32 $0xFFFFE003, lr  }
0x1b: {  	s9 =	sadd.s32 $0xFFFFFEF7, lr;
	s5 =	simm.s32 $0xFFFFFFFF;
	p2 =	slt.u32 s8, $0xFFFFF086  }
0x1c: {  	p1 =	slt.u32 s9, $0xF7A;
	s5 =	simm.s32 @!p2 $0x0  }
0x1d: {  	s5 =	simm.s32 @p1 $0x1;
	p0 =	seq.s32 s7, s2  }
0x1e: {  	s7 =	smul.u32 @!p0 $0xF7A, s2;
	p2 =	seq.s32 @!p0 s5, $0x0  }
0x1f: {  	s9 =	smul.u32 $0xF7A, s1;
	s8 =	simm.s32 @!p0 $0x1BF5;
	p2 =	por !p2, p0  }
0x20: {  	[sflag:s8] =	ssyncset.s32 @!p0 $0xFFFFF086;
	s6 =	sadd.s32 @!p0 s3, s7;
	s7 =	simm.s32 @!p0 $0x108  }
0x21: {  	s3 =	sadd.s32 s3, s9;
	s6 =	sadd.s32 @!p0 $0x88, s6;
	s7 =	simm.s32 @p2 $0x1082  }
0x22: {  	[simem:s7], [sflag:s8] =	dma.local @!p0 [hbm:s6], $0xF7A  }
0x23: {  	s9 =	sor.u32 $0xD0000000, s2;
	s6 =	simm.s32 $0x108;
	_ =	swait.ge @!p0 [sflag:s8], $0x0  }
0x24: {  	s3 =	sadd.s32 $0x88, s3;
	s6 =	simm.s32 @!p1 $0x1082;
	[sflag:s4] =	ssyncset.s32 $0xFFFFF086  }
0x25: {  	[simem:s6], [sflag:s4] =	dma.local [hbm:s3], $0xF7A  }
0x26: {  	[smem:$0x3F9A] =	sst s1;
	(tag) =	ssettag s2;
	_ =	strace s9  }
0x27: {  	s1 =	sld [smem:$0x3FAA]  }
0x28: {  	s2 =	sld [smem:$0x3FAB]  }
0x29: {  	s4 =	sld [smem:$0x3FAD]  }
0x2a: {  	p0 =	seq.s32 s5, $0x0;
	s5 =	sld [smem:$0x3FAE]  }
0x2b: {  	s6 =	sld [smem:$0x3FAF]  }
0x2c: {  	s7 =	sld [smem:$0x3FB0]  }
0x2d: {  	s3 =	simm.s32 $0x108;
	s8 =	sld [smem:$0x3FB1]  }
0x2e: {  	s3 =	simm.s32 @!p0 $0x1082;
	s9 =	sld [smem:$0x3FB2]  }
0x2f: {  	lr =	sadd.s32 s0, s3;
	s0 =	sld [smem:$0x3FA9]  }
0x30: {  	s3 =	sld [smem:$0x3FAC]  }
0x31: {  	[smem:$0x3FB5] =	sst s10  }
0x32: {  	s10 =	sld [smem:$0x3FB3];
	_ =	sdelay $0x3  }
0x33: {  	p0 =	seq.s32 s10, $0x1;
	s10 =	sld [smem:$0x3FB5];
	_ =	sdelay $0x3  }
0x34: {  	[smem:$0x3FB5] =	sst s10  }
0x35: {  	s10 =	sld [smem:$0x3FB4];
	_ =	sdelay $0x3  }
0x36: {  	p1 =	seq.s32 s10, $0x1;
	s10 =	sld [smem:$0x3FB5];
	_ =	sdelay $0x3  }
0x37: {  	[smem:$0x3FB5] =	sst s10  }
0x38: {  	s10 =	sld [smem:$0x3FB6]  }
0x39: {  	_ = 	snop;
	(pc) =	sbr.ind lr, $3  }
0x3a: {  	_ = 	snop  }
0x3b: {  	_ = 	snop  }
0x3c: {  	p2 =	seq.s32 s10, $0x1;
	s10 =	sld [smem:$0x3FB5]  }
0x3d: {  	_ =	shalt  }
0x3e: {  	_ =	shalt  }
0x3f: {  	_ =	shalt  }
0x40: {  	_ =	shalt  }
0x41: {  	_ =	shalt  }
0x42: {  	_ =	shalt  }
0x43: {  	_ =	shalt  }
0x44: {  	_ =	shalt  }
0x45: {  	_ =	shalt  }
0x46: {  	_ =	shalt  }
0x47: {  	_ =	shalt  }
0x48: {  	_ =	shalt  }
0x49: {  	_ =	shalt  }
0x4a: {  	_ =	shalt  }
0x4b: {  	_ =	shalt  }
0x4c: {  	_ =	shalt  }
0x4d: {  	_ =	shalt  }
0x4e: {  	_ =	shalt  }
0x4f: {  	_ =	shalt  }
0x50: {  	_ =	shalt  }
0x51: {  	_ =	shalt  }
0x52: {  	_ =	shalt  }
0x53: {  	_ =	shalt  }
0x54: {  	_ =	shalt  }
0x55: {  	_ =	shalt  }
0x56: {  	_ =	shalt  }
0x57: {  	_ =	shalt  }
0x58: {  	_ =	shalt  }
0x59: {  	_ =	shalt  }
0x5a: {  	_ =	shalt  }
0x5b: {  	_ =	shalt  }
0x5c: {  	_ =	shalt  }
0x5d: {  	_ =	shalt  }
0x5e: {  	_ =	shalt  }
0x5f: {  	_ =	shalt  }
0x60: {  	_ =	shalt  }
0x61: {  	_ =	shalt  }
0x62: {  	_ =	shalt  }
0x63: {  	_ =	shalt  }
0x64: {  	_ =	shalt  }
0x65: {  	_ =	shalt  }
0x66: {  	_ =	shalt  }
0x67: {  	_ =	shalt  }
0x68: {  	_ =	shalt  }
0x69: {  	_ =	shalt  }
0x6a: {  	_ =	shalt  }
0x6b: {  	_ =	shalt  }
0x6c: {  	_ =	shalt  }
0x6d: {  	_ =	shalt  }
0x6e: {  	_ =	shalt  }
0x6f: {  	_ =	shalt  }
0x70: {  	_ =	shalt  }
0x71: {  	_ =	shalt  }
0x72: {  	_ =	shalt  }
0x73: {  	_ =	shalt  }
0x74: {  	_ =	shalt  }
0x75: {  	_ =	shalt  }
0x76: {  	_ =	shalt  }
0x77: {  	_ =	shalt  }
0x78: {  	_ =	shalt  }
0x79: {  	_ =	shalt  }
0x7a: {  	_ =	shalt  }
0x7b: {  	_ =	shalt  }
0x7c: {  	_ =	shalt  }
0x7d: {  	_ =	shalt  }
0x7e: {  	_ =	shalt  }
0x7f: {  	_ =	shalt  }
0x80: {  	_ =	shalt  }
0x81: {  	_ =	shalt  }
0x82: {  	_ =	shalt  }
0x83: {  	_ =	shalt  }
0x84: {  	_ =	shalt  }
0x85: {  	_ =	shalt  }
0x86: {  	_ =	shalt  }
0x87: {  	_ =	shalt  }
.Lfunc_end0:
.L_simem_size_0:
called_computation.3_lowered:
.L_overlay_start_0:
0x88: {  	s2 =	sld [smem:$0x3FD9]  }
0x89: {  	s3 =	sld [smem:$0x3FFE];
	_ =	sdelay $0x1  }
0x8a: {  	s1 =	srdreg.scid  }
0x8b: {  	s0 =	sand.u32 $0x1, s1  }
0x8c: {  	s17 =	sshll.u32 s0, $0xA;
	s2 =	sadd.s32 s3, s2  }
0x8d: {  	s2 =	sadd.s32 s2, s17  }
0x8e: {  	[smem:$0x3FC1] =	sst s2  }
0x8f: {  	_ = 	snop  }
0x90: {  	s2 =	sld [smem:$0x3FD0];
	(tm) =	ssettm $0x1  }
0x91: {  	s18 =	sld [smem:$0x3FFB];
	_ =	sdelay $0x3  }
0x92: {  	_ =	strace s18  }
0x93: {  	s3 =	sld [smem:$0x3FFC];
	_ =	sdelay $0x3  }
0x94: {  	_ =	strace s3  }
0x95: {  	s3 =	sld [smem:$0x3FFD];
	_ =	sdelay $0x3  }
0x96: {  	_ =	strace s3  }
0x97: {  	_ =	strace $0x8FFFFFFF  }
0x98: {  	s19 =	sld [smem:$0x3FDB];
	_ =	sdelay $0x1  }
0x99: {  	s4 =	simm.s32 $_scs_section_size  }
0x9a: {  	s5 =	simm.s32 $_size__tile_overlayer_lowered;
	s6 =	simm.s32 $_tile_overlayer_lowered  }
0x9b: {  	s22 =	simm.s32 $0x1BFF;
	s21 =	sshll.u32 s6, $0x1;
	s3 =	sadd.s32 s4, s19  }
0x9c: {  	s7 =	simm.s32 $0x0;
	s20 =	sshll.u32 s5, $0x1;
	s5 =	sadd.s32 s21, s3  }
0x9d: {  	[timem:s7], [sflag:s22] =	dma.local [hbm:s5], s20  }
0x9e: {  	_ =	swait.ge [sflag:s22], s20  }
0x9f: {  	s4 =	ssub.s32 $0x0, s20;
	[sflag:s22] =	ssyncset.done $0x0  }
0xa0: {  	[sflag:s22] =	ssyncadd.s32 s4;
	_ =	sdelay $0x1  }
0xa1: {  	s23 =	simm.s32 $0x1B8B  }
0xa2: {  	_ =	swait.ge [sflag:s23], $0x1  }
0xa3: {  	[sflag:s23] =	ssyncset.done $0x0  }
0xa4: {  	s25 =	simm.s32 $0x1B8E;
	s24 =	sld [smem:$0x3FFE];
	[sflag:s23] =	ssyncadd.s32 $0xFFFFFFFF  }
0xa5: {  	s26 =	simm.s32 $execute0_lowered;
	[smem:$0x3FD2] =	sst s25  }
0xa6: {  	s5 =	sshll.u32 s26, $0x1;
	_ =	strace $0x8000004F;
	[dreg:$0x1] =	wrdreg $0xFFFFFFFF  }
0xa7: {  	s28 =	simm.s32 $_size_execute0_lowered;
	s3 =	sadd.s32 s3, s5;
	[dreg:$0x0] =	wrdreg $0x0  }
0xa8: {  	s5 =	sshll.u32 s28, $0x1;
	[dreg:$0x2] =	wrdreg s3  }
0xa9: {  	[dreg:$0x3] =	wrdreg s5  }
0xaa: {  	[dreg:$0x4] =	wrdreg $0xC0  }
0xab: {  	_ =	task [dreg:s7], $0x5FFFF  }
0xac: {  	[dreg:$0x1] =	wrdreg $0xFFFFFFFF  }
0xad: {  	[dreg:$0x0] =	wrdreg $0x60  }
0xae: {  	[dreg:$0x2] =	wrdreg s24  }
0xaf: {  	[dreg:$0x3] =	wrdreg s2  }
0xb0: {  	[dreg:$0x4] =	wrdreg $0x9  }
0xb1: {  	_ =	task.clear_ibuf [dreg:s7], $0x5FFFF;
	_ =	strace $0x9000004F  }
0xb2: {  	s29 =	simm.s32 $0x9;
	_ =	strace $0x80000051  }
0xb3: {  	_ =	swait.ge [sflag:s29], $0x1  }
0xb4: {  	[sflag:s29] =	ssyncadd.s32 $0xFFFFFFFF  }
0xb5: {  	_ =	strace $0x90000051  }
0xb6: {  	_ =	sfence  }
0xb7: {  	s30 =	sld [smem:$0x0];
	_ =	sdelay $0x2  }
0xb8: {  	s31 =	sshll.u32 s1, $0xD;
	s1 =	sshrl.u32 s1, $0x2  }
0xb9: {  	s3 =	sand.u32 $0x4000, s31;
	s1 =	sadd.s32 s1, s30  }
0xba: {  	s0 =	sor.u32 s3, s0;
	s1 =	sshll.u32 s1, $0x11  }
0xbb: {  	s0 =	sor.u32 s1, s0  }
0xbc: {  	s0 =	sadd.s32 $0x8F2B, s0  }
0xbd: {  	[sflag:s0] =	ssyncadd.remote.s32 $0x1  }
0xbe: {  	_ =	sfence.sel $0xFFFF  }
0xbf: {  	[dreg:$0x0] =	wrdreg $0xFFFFFFFF;
	(pc) =	sbr.abs _section_cstart, $3  }
0xc0: {  	[dreg:$0x1] =	wrdreg $0xFFFFFFFF  }
0xc1: {  	_ =	task.clear_ibuf [dreg:s7], $0x2FFFF;
	_ =	strace $0x9FFFFFFF  }
0xc2: {  	(tm) =	ssettm $0x7FFFFFFF  }
0xc3: {  	_ =	shalt  }
tec
execute0_lowered:
.L_overlay_start_1:
0x0: {  	(tag) =	ssettag $0x1  }
0x1: {  	s2 =	rddreg [dreg:$0x0]  }
0x2: {  	s0 =	rddreg [dreg:$0x1]  }
0x3: {  	s3 =	srdreg.scid;
	s1 =	stileid.u32;
	s8 =	simm.s32 $0x80  }
0x4: {  	s26 =	simm.s32 $0x880;
	s9 =	simm.s32 $0x1080;
	s10 =	simm.s32 $0x1880  }
0x5: {  	s11 =	simm.s32 $0x2080;
	s12 =	simm.s32 $0x2880;
	s13 =	simm.s32 $0x3080  }
0x6: {  	s14 =	simm.s32 $0x3880;
	s15 =	simm.s32 $0x4080;
	s16 =	simm.s32 $0x4880  }
0x7: {  	s17 =	simm.s32 $0x5080;
	s18 =	simm.s32 $0x5880;
	s19 =	simm.s32 $0x6080  }
0x8: {  	s20 =	simm.s32 $0x6880;
	s21 =	simm.s32 $0x7080;
	s22 =	simm.s32 $0x7880  }
0x9: {  	s23 =	simm.s32 $0x8080;
	s24 =	simm.s32 $0x8880;
	s28 =	simm.s32 $0xA080  }
0xa: {  	s29 =	simm.s32 $0xA880;
	s30 =	simm.s32 $0xB080;
	s31 =	simm.s32 $0xB880  }
0xb: {  	s4 =	sand.u32 $0x1, s3;
	s3 =	simm.s32 $0x0;
	s5 =	sshll.u32 s1, $0x4  }
0xc: {  	s6 =	sshll.u32 s4, $0x3;
	[smem:$0x7FF] =	sst s3;
	s4 =	ssub.s32 $0x2, s4  }
0xd: {  	s5 =	sor.u32 s6, s5;
	s7 =	sshrl.u32 s4, $0x1;
	_ =	strace $0x80000050  }
0xe: {  	[dreg:$0x5] =	wrdreg s26;
	s26 =	simm.s32 $0x9880;
	s6 =	sadd.s32 s5, s2  }
0xf: {  	s5 =	smul.u32 $0x300, s5;
	s7 =	ssub.s32 s4, s7;
	s4 =	sadd.s32 $0x100, s2  }
0x10: {  	v2 =	vlaneseq.u32;
	s25 =	sadd.s32 $0x12B000, s6;
	s6 =	smax.u32 s7, $0x1;
	s7 =	simm.s32 $0x2  }
0x11: {  	vm0 =	vmmov $0xffff;
	v1 =	vshrl.u32 v2, $0x3;
	[dreg:$0x3] =	wrdreg s25;
	s0 =	sadd.s32 s0, s5;
	s5 =	sadd.s32 $0x200, s2  }
0x12: {  	v0 =	vand.u32 $0x7, v2;
	v2 =	vor.u32 $0x8, v2;
	v1 =	vmul.u32 $0x8, v1;
	s25 =	simm.s32 $0x9080;
	[dreg:$0x4] =	wrdreg s0;
	s0 =	simm.s32 $0x1  }
.LBB2_1:
0x13: {  	s1 =	rddreg [dreg:$0x3]  }
0x14: {  	[tilespmem:s3], [sflag:$0x2] =	stream.linear.gather [hbm4b:s1+s3], $0x40, $0x38;
	[tilespmem:$0xC080] =	vst v63  }
0x15: {  	_ =	swait.ge [sflag:s7], $0x40  }
0x16: {  	[sflag:s7] =	ssyncset.done $0x0  }
0x17: {  	[sflag:s7] =	ssyncadd.s32 $0xFFFFFFC0  }
0x18: {  	v3 =	vld [tilespmem:$0x0];
	_ =	sdelay $0x4  }
0x19: {  	v4 =	vshrl.u32 v3, $0x3  }
0x1a: {  	v4 =	vmul.u32 $0x30, v4  }
0x1b: {  	v3 =	vand.u32 $0x7, v3  }
0x1c: {  	v3 =	vor.u32 v3, v4  }
0x1d: {  	v4 =	vperm.xlane v3, v0;
	_ =	sdelay $0x1  }
0x1e: {  	v4 =	vadd.s32 v1, v4;
	_ =	sdelay $0x3  }
0x1f: {  	v3 =	vperm.xlane v3, v2  }
0x20: {  	[tilespmem:s8], [sflag:$0x1] =	stream.indirect_vreg.gather [hbm4b:s2+s3], $0x80, v4, vm0, $0xb8;
	[tilespmem:$0xC080] =	vst v63  }
0x21: {  	s1 =	rddreg [dreg:$0x5];
	v3 =	vadd.s32 v1, v3  }
0x22: {  	[tilespmem:s1], [sflag:$0x1] =	stream.indirect_vreg.gather [hbm4b:s4+s3], $0x80, v4, vm0, $0xb8;
	[tilespmem:$0xC080] =	vst v63  }
0x23: {  	_ = 	snop  }
0x24: {  	[tilespmem:s9], [sflag:$0x1] =	stream.indirect_vreg.gather [hbm4b:s5+s3], $0x80, v4, vm0, $0xb8;
	[tilespmem:$0xC080] =	vst v63  }
0x25: {  	_ = 	snop  }
0x26: {  	[tilespmem:s10], [sflag:$0x1] =	stream.indirect_vreg.gather [hbm4b:s2+s3], $0x80, v3, vm0, $0xb8;
	[tilespmem:$0xC080] =	vst v63  }
0x27: {  	_ = 	snop  }
0x28: {  	[tilespmem:s11], [sflag:$0x1] =	stream.indirect_vreg.gather [hbm4b:s4+s3], $0x80, v3, vm0, $0xb8;
	[tilespmem:$0xC080] =	vst v63  }
0x29: {  	_ = 	snop  }
0x2a: {  	[tilespmem:s12], [sflag:$0x1] =	stream.indirect_vreg.gather [hbm4b:s5+s3], $0x80, v3, vm0, $0xb8;
	[tilespmem:$0xC080] =	vst v63  }
0x2b: {  	v3 =	vld [tilespmem:$0x10];
	_ =	sdelay $0x4  }
0x2c: {  	v61 =	vshrl.u32 v3, $0x3  }
0x2d: {  	v4 =	vmul.u32 $0x30, v61  }
0x2e: {  	v3 =	vand.u32 $0x7, v3  }
0x2f: {  	v3 =	vor.u32 v3, v4  }
0x30: {  	v4 =	vperm.xlane v3, v0;
	_ =	sdelay $0x1  }
0x31: {  	v4 =	vadd.s32 v1, v4;
	_ =	sdelay $0x3  }
0x32: {  	v3 =	vperm.xlane v3, v2  }
0x33: {  	[tilespmem:s13], [sflag:$0x1] =	stream.indirect_vreg.gather [hbm4b:s2+s3], $0x80, v4, vm0, $0xb8;
	[tilespmem:$0xC080] =	vst v63  }
0x34: {  	v3 =	vadd.s32 v1, v3  }
0x35: {  	[tilespmem:s14], [sflag:$0x1] =	stream.indirect_vreg.gather [hbm4b:s4+s3], $0x80, v4, vm0, $0xb8;
	[tilespmem:$0xC080] =	vst v63  }
0x36: {  	_ = 	snop  }
0x37: {  	[tilespmem:s15], [sflag:$0x1] =	stream.indirect_vreg.gather [hbm4b:s5+s3], $0x80, v4, vm0, $0xb8;
	[tilespmem:$0xC080] =	vst v63  }
0x38: {  	_ = 	snop  }
0x39: {  	[tilespmem:s16], [sflag:$0x1] =	stream.indirect_vreg.gather [hbm4b:s2+s3], $0x80, v3, vm0, $0xb8;
	[tilespmem:$0xC080] =	vst v63  }
0x3a: {  	_ = 	snop  }
0x3b: {  	[tilespmem:s17], [sflag:$0x1] =	stream.indirect_vreg.gather [hbm4b:s4+s3], $0x80, v3, vm0, $0xb8;
	[tilespmem:$0xC080] =	vst v63  }
0x3c: {  	_ = 	snop  }
0x3d: {  	[tilespmem:s18], [sflag:$0x1] =	stream.indirect_vreg.gather [hbm4b:s5+s3], $0x80, v3, vm0, $0xb8;
	[tilespmem:$0xC080] =	vst v63  }
0x3e: {  	v3 =	vld [tilespmem:$0x20];
	_ =	sdelay $0x4  }
0x3f: {  	v62 =	vshrl.u32 v3, $0x3  }
0x40: {  	v4 =	vmul.u32 $0x30, v62  }
0x41: {  	v3 =	vand.u32 $0x7, v3  }
0x42: {  	v3 =	vor.u32 v3, v4  }
0x43: {  	v4 =	vperm.xlane v3, v0;
	_ =	sdelay $0x1  }
0x44: {  	v4 =	vadd.s32 v1, v4;
	_ =	sdelay $0x3  }
0x45: {  	v3 =	vperm.xlane v3, v2  }
0x46: {  	[tilespmem:s19], [sflag:$0x1] =	stream.indirect_vreg.gather [hbm4b:s2+s3], $0x80, v4, vm0, $0xb8;
	[tilespmem:$0xC080] =	vst v63  }
0x47: {  	v3 =	vadd.s32 v1, v3  }
0x48: {  	[tilespmem:s20], [sflag:$0x1] =	stream.indirect_vreg.gather [hbm4b:s4+s3], $0x80, v4, vm0, $0xb8;
	[tilespmem:$0xC080] =	vst v63  }
0x49: {  	_ = 	snop  }
0x4a: {  	[tilespmem:s21], [sflag:$0x1] =	stream.indirect_vreg.gather [hbm4b:s5+s3], $0x80, v4, vm0, $0xb8;
	[tilespmem:$0xC080] =	vst v63  }
0x4b: {  	_ = 	snop  }
0x4c: {  	[tilespmem:s22], [sflag:$0x1] =	stream.indirect_vreg.gather [hbm4b:s2+s3], $0x80, v3, vm0, $0xb8;
	[tilespmem:$0xC080] =	vst v63  }
0x4d: {  	_ = 	snop  }
0x4e: {  	[tilespmem:s23], [sflag:$0x1] =	stream.indirect_vreg.gather [hbm4b:s4+s3], $0x80, v3, vm0, $0xb8;
	[tilespmem:$0xC080] =	vst v63  }
0x4f: {  	_ = 	snop  }
0x50: {  	[tilespmem:s24], [sflag:$0x1] =	stream.indirect_vreg.gather [hbm4b:s5+s3], $0x80, v3, vm0, $0xb8;
	[tilespmem:$0xC080] =	vst v63  }
0x51: {  	v3 =	vld [tilespmem:$0x30];
	_ =	sdelay $0x4  }
0x52: {  	v63 =	vshrl.u32 v3, $0x3  }
0x53: {  	v4 =	vmul.u32 $0x30, v63  }
0x54: {  	v3 =	vand.u32 $0x7, v3  }
0x55: {  	v3 =	vor.u32 v3, v4  }
0x56: {  	v4 =	vperm.xlane v3, v0;
	_ =	sdelay $0x1  }
0x57: {  	v4 =	vadd.s32 v1, v4;
	_ =	sdelay $0x3  }
0x58: {  	v3 =	vperm.xlane v3, v2  }
0x59: {  	[tilespmem:s25], [sflag:$0x1] =	stream.indirect_vreg.gather [hbm4b:s2+s3], $0x80, v4, vm0, $0xb8;
	[tilespmem:$0xC080] =	vst v63  }
0x5a: {  	v3 =	vadd.s32 v1, v3  }
0x5b: {  	[tilespmem:s26], [sflag:$0x1] =	stream.indirect_vreg.gather [hbm4b:s4+s3], $0x80, v4, vm0, $0xb8;
	[tilespmem:$0xC080] =	vst v63  }
0x5c: {  	_ = 	snop  }
0x5d: {  	[tilespmem:s28], [sflag:$0x1] =	stream.indirect_vreg.gather [hbm4b:s5+s3], $0x80, v4, vm0, $0xb8;
	[tilespmem:$0xC080] =	vst v63  }
0x5e: {  	_ = 	snop  }
0x5f: {  	[tilespmem:s29], [sflag:$0x1] =	stream.indirect_vreg.gather [hbm4b:s2+s3], $0x80, v3, vm0, $0xb8;
	[tilespmem:$0xC080] =	vst v63  }
0x60: {  	_ = 	snop  }
0x61: {  	[tilespmem:s30], [sflag:$0x1] =	stream.indirect_vreg.gather [hbm4b:s4+s3], $0x80, v3, vm0, $0xb8;
	[tilespmem:$0xC080] =	vst v63  }
0x62: {  	_ = 	snop  }
0x63: {  	[tilespmem:s31], [sflag:$0x1] =	stream.indirect_vreg.gather [hbm4b:s5+s3], $0x80, v3, vm0, $0xb8;
	[tilespmem:$0xC080] =	vst v63  }
0x64: {  	_ =	swait.ge [sflag:s0], $0xC000  }
0x65: {  	p0 =	sne.s32 s6, $0x1;
	[sflag:s0] =	ssyncset.done $0x0  }
.Ltmp0:
0x66: {  	s1 =	rddreg [dreg:$0x4];
	[sflag:s0] =	ssyncadd.s32 $0xFFFF4000;
	(pc) =	sbr.rel @p0 .LBB2_1-.Ltmp0, $4  }
0x67: {  	[hbm4b:s1+s3] =	stream.linear.scatter [tilespmem:s8], [sflag:$0x2], $0xC000, $0x38;
	[tilespmem:$0xC080] =	vst v63  }
0x68: {  	_ =	swait.ge [sflag:s7], $0xC000  }
0x69: {  	[sflag:s7] =	ssyncset.done $0x0  }
0x6a: {  	s6 =	sadd.s32 $0xFFFFFFFF, s6;
	[sflag:s7] =	ssyncadd.s32 $0xFFFF4000  }
0x6b: {  	_ =	sfence.sel $0x180000  }
0x6c: {  	[bflag:$0x0] =	sbarrier.arrive $0xFFFF  }
0x6d: {  	_ =	strace $0x90000050  }
0x6e: {  	s0 =	stileid.u32;
	[bflag:$0x2] =	sbarrier.arrive $0xFFFF  }
0x6f: {  	p0 =	sne.s32 s0, $0x0;
	s0 =	rddreg [dreg:$0x2]  }
0x70: {  	s0 =	sadd.s32 @!p0 $0x100000, s0  }
0x71: {  	[sflag:s0] =	ssyncadd.tile.s32 @!p0 $0x1;
	_ =	shalt  }
.Lfunc_end2:
_tile_overlayer_lowered:
.L_overlay_start_2:
0x72: {  	(tag) =	ssettag $0x2  }
0x73: {  	s0 =	rddreg [dreg:$0x0];
	s2 =	stileid.u32  }
0x74: {  	s1 =	rddreg [dreg:$0x1];
	p0 =	sne.s32 s2, $0x0  }
0x75: {  	s3 =	rddreg [dreg:$0x2];
	[bflag:$0x3] =	sbarrier.arrive $0xFFFF;
	s2 =	simm.s32 @!p0 $0x1C02  }
0x76: {  	[timem:s3], [sflag:s2] =	dma.local @!p0 [hbm:s0], s1  }
0x77: {  	s0 =	simm.s32 @!p0 $0x2  }
0x78: {  	_ =	swait.ge @!p0 [sflag:s0], s1  }
0x79: {  	s1 =	ssub.s32 @!p0 $0x0, s1;
	[sflag:s0] =	ssyncset.done @!p0 $0x0  }
0x7a: {  	[sflag:s0] =	ssyncadd.s32 @!p0 s1  }
0x7b: {  	[bflag:$0x3] =	sbarrier.arrive $0xFFFF  }
0x7c: {  	_ =	shalt  }

</sc_bundles>
